<compile_context>
chip_gen: v7x
topology: tpu7x:2x2x1
jax: 0.10.2.dev20260603
libtpu: 0.0.44.dev20260713+nightly
codegen_flags: <defaults>
</compile_context>

<pallas_src>
import functools

import jax
import jax.numpy as jnp
from jax import lax
from jax.experimental import pallas as pl
from jax.experimental.pallas import tpu as pltpu
from jax.experimental.pallas import tpu_sc as plsc

_NC = 2
_NS = 16
_L = 16
_H = 24
_BN = 4096
_BNL = 8192
_BN2 = 25600
_C = 10000


def _pad_sizes(n):
    npt = -(-n // _NS)
    npt = ((npt + _L - 1) // _L) * _L
    npad = npt * _NS
    npad = ((npad + _BN - 1) // _BN) * _BN
    npt = npad // _NS
    return npt, npad


def _fill_zero(ref, nwords):
    def body(i, carry):
        ref[pl.ds(i * _L, _L)] = jnp.zeros((_L,), jnp.float32)
        return carry

    lax.fori_loop(0, nwords // _L, body, 0)


def _build_indeg(n, e):
    nw = _NC * _NS
    ew = e // nw
    c = _C
    assert ew % c == 0 and e % nw == 0
    nch = ew // c
    assert nch % 2 == 0
    npt, npad = _pad_sizes(n)
    mesh = plsc.VectorSubcoreMesh(core_axis_name="c", subcore_axis_name="s",
                                  num_cores=_NC, num_subcores=_NS)

    @functools.partial(
        pl.kernel,
        out_type=jax.ShapeDtypeStruct((_NC * npad,), jnp.float32),
        mesh=mesh,
        scratch_types=[
            pltpu.VMEM((c,), jnp.int32),
            pltpu.VMEM((c,), jnp.int32),
            pltpu.VMEM((c,), jnp.float32),
            pltpu.VMEM((npt,), jnp.float32),
            pltpu.VMEM_SHARED((npad,), jnp.float32),
            pltpu.SemaphoreType.DMA,
            pltpu.SemaphoreType.DMA,
        ],
    )
    def indeg(ei_ref, out_ref, idx0, idx1, ones_v, zbuf_v, acc_sh, sem0, sem1):
        cid = lax.axis_index("c")
        sid = lax.axis_index("s")
        wid = sid * _NC + cid

        def fill_ones(i, carry):
            ones_v[pl.ds(i * _L, _L)] = jnp.ones((_L,), jnp.float32)
            return carry

        lax.fori_loop(0, c // _L, fill_ones, 0)
        _fill_zero(zbuf_v, npt)

        pltpu.sync_copy(zbuf_v, acc_sh.at[pl.ds(sid * npt, npt)])
        plsc.subcore_barrier()

        base = e + wid * ew
        bufs = (idx0, idx1)
        sems = (sem0, sem1)

        pltpu.async_copy(ei_ref.at[pl.ds(base, c)], idx0, sem0)

        def outer(jj, carry):
            for b in (0, 1):
                j = jj * 2 + b
                src = ei_ref.at[pl.ds(base + j * c, c)]
                pltpu.make_async_copy(src, bufs[b], sems[b]).wait()

                @pl.when(j + 1 < nch)
                def _():
                    nxt = ei_ref.at[pl.ds(base + (j + 1) * c, c)]
                    pltpu.async_copy(nxt, bufs[1 - b], sems[1 - b])

                pltpu.sync_copy(ones_v, acc_sh.at[bufs[b]], add=True)
            return carry

        lax.fori_loop(0, nch // 2, outer, 0)
        plsc.subcore_barrier()
        pltpu.sync_copy(acc_sh.at[pl.ds(sid * npt, npt)], zbuf_v)
        pltpu.sync_copy(zbuf_v, out_ref.at[pl.ds(cid * npad + sid * npt, npt)])

    return indeg


def _build_segsum(n, e):
    nw = _NC * _NS
    ew = e // nw
    c = _C
    assert ew % c == 0 and e % nw == 0
    nch = ew // c
    assert nch % 2 == 0
    npt, npad = _pad_sizes(n)
    mesh = plsc.VectorSubcoreMesh(core_axis_name="c", subcore_axis_name="s",
                                  num_cores=_NC, num_subcores=_NS)

    @functools.partial(
        pl.kernel,
        out_type=jax.ShapeDtypeStruct((_NC * npad,), jnp.float32),
        mesh=mesh,
        scratch_types=[
            pltpu.VMEM((c,), jnp.int32),
            pltpu.VMEM((c,), jnp.int32),
            pltpu.VMEM((c,), jnp.int32),
            pltpu.VMEM((c,), jnp.int32),
            pltpu.VMEM((c,), jnp.float32),
            pltpu.VMEM((npt,), jnp.float32),
            pltpu.VMEM_SHARED((npad,), jnp.float32),
            pltpu.VMEM_SHARED((npad,), jnp.float32),
            pltpu.SemaphoreType.DMA,
            pltpu.SemaphoreType.DMA,
            pltpu.SemaphoreType.DMA,
            pltpu.SemaphoreType.DMA,
        ],
    )
    def segsum(ei_ref, s_ref, out_ref, idxr0, idxr1, idxc0, idxc1, vals_v,
               zbuf_v, s_sh, acc_sh, semr0, semr1, semc0, semc1):
        cid = lax.axis_index("c")
        sid = lax.axis_index("s")
        wid = sid * _NC + cid

        _fill_zero(zbuf_v, npt)
        pltpu.sync_copy(zbuf_v, acc_sh.at[pl.ds(sid * npt, npt)])
        pltpu.sync_copy(s_ref.at[pl.ds(sid * npt, npt)], zbuf_v)
        pltpu.sync_copy(zbuf_v, s_sh.at[pl.ds(sid * npt, npt)])
        plsc.subcore_barrier()

        base = wid * ew
        rbufs = (idxr0, idxr1)
        cbufs = (idxc0, idxc1)
        rsems = (semr0, semr1)
        csems = (semc0, semc1)

        pltpu.async_copy(ei_ref.at[pl.ds(base, c)], idxr0, semr0)
        pltpu.async_copy(ei_ref.at[pl.ds(e + base, c)], idxc0, semc0)

        def outer(jj, carry):
            for b in (0, 1):
                j = jj * 2 + b
                rsrc = ei_ref.at[pl.ds(base + j * c, c)]
                csrc = ei_ref.at[pl.ds(e + base + j * c, c)]
                pltpu.make_async_copy(rsrc, rbufs[b], rsems[b]).wait()
                pltpu.make_async_copy(csrc, cbufs[b], csems[b]).wait()

                @pl.when(j + 1 < nch)
                def _():
                    rn = ei_ref.at[pl.ds(base + (j + 1) * c, c)]
                    cn = ei_ref.at[pl.ds(e + base + (j + 1) * c, c)]
                    pltpu.async_copy(rn, rbufs[1 - b], rsems[1 - b])
                    pltpu.async_copy(cn, cbufs[1 - b], csems[1 - b])

                pltpu.sync_copy(s_sh.at[rbufs[b]], vals_v)
                pltpu.sync_copy(vals_v, acc_sh.at[cbufs[b]], add=True)
            return carry

        lax.fori_loop(0, nch // 2, outer, 0)
        plsc.subcore_barrier()
        pltpu.sync_copy(acc_sh.at[pl.ds(sid * npt, npt)], zbuf_v)
        pltpu.sync_copy(zbuf_v, out_ref.at[pl.ds(cid * npad + sid * npt, npt)])

    return segsum


def _lstm_body(ht_ref, x_ref, whx_ref, wg_ref, h1_ref, c1_ref, z_ref):
    h0 = ht_ref[0, 0]
    c0 = ht_ref[1, 0]
    xv = x_ref[...]
    ones = jnp.ones((1, xv.shape[0]), jnp.float32)
    hx = jnp.concatenate([h0, xv[None, :], ones], axis=0)
    gates = lax.dot_general(whx_ref[...], hx, (((1,), (0,)), ((), ())),
                            preferred_element_type=jnp.float32)
    ig = jax.nn.sigmoid(gates[0:_H])
    fg = jax.nn.sigmoid(gates[_H:2 * _H])
    gg = jnp.tanh(gates[2 * _H:3 * _H])
    og = jax.nn.sigmoid(gates[3 * _H:4 * _H])
    c1 = fg * c0 + ig * gg
    h1 = og * jnp.tanh(c1)
    h1_ref[0] = h1
    c1_ref[0] = c1
    zm = lax.dot_general(wg_ref[...], h1, (((1,), (0,)), ((), ())),
                         preferred_element_type=jnp.float32)
    z_ref[...] = zm[0]


def _lstm_call(ht, x, whx, wg, n):
    grid = -(-n // _BNL)
    f32 = jnp.float32
    return pl.pallas_call(
        _lstm_body,
        grid=(grid,),
        in_specs=[
            pl.BlockSpec((2, 1, _H, _BNL), lambda i: (0, 0, 0, i)),
            pl.BlockSpec((_BNL,), lambda i: (i,)),
            pl.BlockSpec((4 * _H, _H + 2), lambda i: (0, 0)),
            pl.BlockSpec((1, _H), lambda i: (0, 0)),
        ],
        out_specs=[
            pl.BlockSpec((1, _H, _BNL), lambda i: (0, 0, i)),
            pl.BlockSpec((1, _H, _BNL), lambda i: (0, 0, i)),
            pl.BlockSpec((_BNL,), lambda i: (i,)),
        ],
        out_shape=[
            jax.ShapeDtypeStruct((1, _H, n), f32),
            jax.ShapeDtypeStruct((1, _H, n), f32),
            jax.ShapeDtypeStruct((n,), f32),
        ],
    )(ht, x, whx, wg)


def _scale_body(z_ref, dp0_ref, dp1_ref, dis_ref, s_ref):
    deg = dp0_ref[...] + dp1_ref[...] + 1.0
    dis = lax.rsqrt(deg)
    dis_ref[...] = dis
    s_ref[...] = dis * z_ref[...]


def _scale_call(z, degp, n, npad):
    grid = npad // _BN2
    off = npad // _BN2
    return pl.pallas_call(
        _scale_body,
        grid=(grid,),
        in_specs=[
            pl.BlockSpec((_BN2,), lambda i: (i,)),
            pl.BlockSpec((_BN2,), lambda i: (i,)),
            pl.BlockSpec((_BN2,), lambda i, off=off: (i + off,)),
        ],
        out_specs=[
            pl.BlockSpec((_BN2,), lambda i: (i,)),
            pl.BlockSpec((_BN2,), lambda i: (i,)),
        ],
        out_shape=[
            jax.ShapeDtypeStruct((n,), jnp.float32),
            jax.ShapeDtypeStruct((npad,), jnp.float32),
        ],
    )(z, degp, degp)


def _final_body(tp0_ref, tp1_ref, s_ref, dis_ref, x_ref, cc_ref, out_ref):
    t = tp0_ref[...] + tp1_ref[...] + s_ref[...]
    y = dis_ref[...] * t + cc_ref[0]
    out_ref[...] = x_ref[...] * y


def _final_call(tp, s, dis, x, cc, n, npad):
    grid = -(-n // _BN2)
    off = npad // _BN2
    return pl.pallas_call(
        _final_body,
        grid=(grid,),
        in_specs=[
            pl.BlockSpec((_BN2,), lambda i: (i,)),
            pl.BlockSpec((_BN2,), lambda i, off=off: (i + off,)),
            pl.BlockSpec((_BN2,), lambda i: (i,)),
            pl.BlockSpec((_BN2,), lambda i: (i,)),
            pl.BlockSpec((_BN2,), lambda i: (i,)),
            pl.BlockSpec(memory_space=pltpu.SMEM),
        ],
        out_specs=pl.BlockSpec((_BN2,), lambda i: (i,)),
        out_shape=jax.ShapeDtypeStruct((n,), jnp.float32),
    )(tp, tp, s, dis, x, cc)


@jax.jit
def kernel(x, h, edge_index, W_ih, W_hh, b_ih, b_hh, W_gcn, b_gcn, W_lin, b_lin):
    n = x.shape[0]
    e = edge_index.shape[1]
    npt, npad = _pad_sizes(n)

    w = W_lin[0]
    wg = (W_gcn @ w).reshape(1, _H)
    cc = (b_gcn @ w + b_lin[0]).reshape(1)
    whx = jnp.concatenate(
        [W_hh, W_ih, (b_ih + b_hh).reshape(4 * _H, 1)], axis=1)

    ht = jnp.transpose(h, (0, 1, 3, 2))
    ei_flat = edge_index.reshape(-1)
    degp = _build_indeg(n, e)(ei_flat)
    h1t, c1t, z = _lstm_call(ht, x, whx, wg, n)
    dis, s = _scale_call(z, degp, n, npad)
    tp = _build_segsum(n, e)(ei_flat, s)
    out0 = _final_call(tp, s, dis, x, cc, n, npad)
    return (out0, jnp.transpose(h1t, (0, 2, 1)), jnp.transpose(c1t, (0, 2, 1)))

# --- scband reference (transcript-rebuilt; emitter-appended) ---
"""Pipeline reference for scband-gnn-l2o-optimizer-50912542327356 (READ-ONLY COPY).

The authoritative reference and input builder live on the scoring server;
editing this copy changes nothing except your own understanding.
"""

import jax, jax.numpy as jnp
import numpy as np

N = 100000
E = 3200000
H = 24


def setup_inputs(seed: int = 0) -> dict:
    key = jax.random.key(seed)
    ks = jax.random.split(key, 12)
    x = jax.random.normal(ks[0], (N,), dtype=jnp.float32)
    h = jax.random.normal(ks[1], (2, 1, N, H), dtype=jnp.float32) * 0.1
    edge_index = jax.random.randint(ks[2], (2, E), 0, N, dtype=jnp.int32)
    W_ih = jax.random.normal(ks[3], (4 * H, 1), dtype=jnp.float32) * 0.1
    W_hh = jax.random.normal(ks[4], (4 * H, H), dtype=jnp.float32) * 0.1
    b_ih = jnp.zeros((4 * H,), dtype=jnp.float32)
    b_hh = jnp.zeros((4 * H,), dtype=jnp.float32)
    W_gcn = jax.random.normal(ks[5], (H, H), dtype=jnp.float32) * 0.1
    b_gcn = jnp.zeros((H,), dtype=jnp.float32)
    W_lin = jax.random.normal(ks[6], (1, H), dtype=jnp.float32) * 0.1
    b_lin = jnp.zeros((1,), dtype=jnp.float32)
    return {"x": x, "h": h, "edge_index": edge_index, "W_ih": W_ih, "W_hh": W_hh,
            "b_ih": b_ih, "b_hh": b_hh, "W_gcn": W_gcn, "b_gcn": b_gcn,
            "W_lin": W_lin, "b_lin": b_lin}


def reference(x, h, edge_index, W_ih, W_hh, b_ih, b_hh, W_gcn, b_gcn, W_lin, b_lin):
    n = x.shape[0]
    # --- LSTM (1 layer, seq_len=1, batch=n, input_size=1, hidden=24) ---
    h0 = h[0, 0]  # [n, H]
    c0 = h[1, 0]  # [n, H]
    xt = x.reshape(n, 1)
    gates = xt @ W_ih.T + b_ih + h0 @ W_hh.T + b_hh  # [n, 4H]
    i, f, g, o = jnp.split(gates, 4, axis=1)
    i = jax.nn.sigmoid(i)
    f = jax.nn.sigmoid(f)
    g = jnp.tanh(g)
    o = jax.nn.sigmoid(o)
    c1 = f * c0 + i * g
    h1 = o * jnp.tanh(c1)
    out = h1  # [n, H]
    # --- GCNConv(24, 24): add self-loops + symmetric degree normalization ---
    ar = jnp.arange(n, dtype=edge_index.dtype)
    row = jnp.concatenate([edge_index[0], ar])  # src
    col = jnp.concatenate([edge_index[1], ar])  # dst
    xw = out @ W_gcn
    deg = jax.ops.segment_sum(jnp.ones(row.shape[0], dtype=xw.dtype), col, num_segments=n)
    dis = jnp.where(deg > 0, jax.lax.rsqrt(jnp.maximum(deg, 1e-12)), 0.0)
    norm = dis[row] * dis[col]
    agg = jax.ops.segment_sum(xw[row] * norm[:, None], col, num_segments=n) + b_gcn
    # --- Linear(24, 1) ---
    y = agg @ W_lin.T + b_lin  # [n, 1]
    y = y.reshape(-1)
    return (x * y, h1[None, :, :], c1[None, :, :])

if __name__ == "__main__":
    import jax
    _d = setup_inputs()
    print(jax.jit(kernel)(*tuple(_d.values())))

</pallas_src>

<mosaic_0001>
#map = affine_map<(d0, d1) -> (0)>
module attributes {stable_mosaic.version = 14 : i64} {
  func.func @segsum(%arg0: i32, %arg1: i32, %arg2: memref<6400000xi32, #tpu.memory_space<hbm>>, %arg3: memref<102400xf32, #tpu.memory_space<hbm>>, %arg4: memref<204800xf32, #tpu.memory_space<hbm>>, %arg5: memref<10000xi32, #tpu.memory_space<vmem>>, %arg6: memref<10000xi32, #tpu.memory_space<vmem>>, %arg7: memref<10000xi32, #tpu.memory_space<vmem>>, %arg8: memref<10000xi32, #tpu.memory_space<vmem>>, %arg9: memref<10000xf32, #tpu.memory_space<vmem>>, %arg10: memref<6400xf32, #tpu.memory_space<vmem>>, %arg11: memref<102400xf32, #tpu.memory_space<vmem_shared>>, %arg12: memref<102400xf32, #tpu.memory_space<vmem_shared>>, %arg13: memref<!tpu.dma_semaphore, #tpu.memory_space<semaphore_mem>>, %arg14: memref<!tpu.dma_semaphore, #tpu.memory_space<semaphore_mem>>, %arg15: memref<!tpu.dma_semaphore, #tpu.memory_space<semaphore_mem>>, %arg16: memref<!tpu.dma_semaphore, #tpu.memory_space<semaphore_mem>>) attributes {dimension_semantics = [#tpu.dimension_semantics<core_parallel>, #tpu.dimension_semantics<subcore_parallel>], iteration_bounds = array<i64: 2, 16>, scalar_prefetch = 0 : i64, scratch_operands = 12 : i64, tpu.core_type = #tpu.core_type<sc_vector_subcore>, window_params = [{transform_indices = #map}, {transform_indices = #map}, {transform_indices = #map}]} {
    %mul3A = arith.constant 2 : i32
    %mul3A_0 = arith.muli %arg1, %mul3A : i32
    %add3A = arith.addi %mul3A_0, %arg0 : i32
    %scan3A = arith.constant 0 : i32
    %scan3A_1 = arith.constant 0 : i32
    %scan3A_2 = arith.constant 400 : i32
    %scan3A_3 = arith.addi %scan3A_1, %scan3A_2 : i32
    %scan3A_4 = arith.constant 1 : i32
    scf.for %scan3A_33 = %scan3A_1 to %scan3A_3 step %scan3A_4  : i32 {
      %broadcast_in_dim3A = arith.constant 0.000000e+00 : f32
      %broadcast_in_dim3A_34 = vector.broadcast %broadcast_in_dim3A : f32 to vector<16xf32>
      %mul3A_35 = arith.constant 16 : i32
      %mul3A_36 = arith.muli %scan3A_33, %mul3A_35 : i32
      %swap3A = arith.index_cast %mul3A_36 : i32 to index
      %swap3A_37 = tpu.vector_load %arg10[%swap3A] {strides = array<i32>} : memref<6400xf32, #tpu.memory_space<vmem>>, vector<16xf32>,
      %swap3A_38 = vector.shape_cast %swap3A_37 : vector<16xf32> to vector<16xf32>
      %swap3A_39 = vector.shape_cast %broadcast_in_dim3A_34 : vector<16xf32> to vector<16xf32>
      tpu.vector_store %arg10[%swap3A], %swap3A_39 {strides = array<i32>} : memref<6400xf32, #tpu.memory_space<vmem>>, vector<16xf32>,
    }
    %scan3A_5 = arith.constant 400 : i32
    %mul3A_6 = arith.constant 6400 : i32
    %mul3A_7 = arith.muli %arg1, %mul3A_6 : i32
    "tpu.region"() ({
      %run_scoped3A = tpu.sem_alloc : memref<!tpu.dma_semaphore, #tpu.memory_space<semaphore_mem>>
      %dma_start3A_33 = tpu.memref_slice %arg12[%mul3A_7] : memref<102400xf32, #tpu.memory_space<vmem_shared>> -> memref<6400xf32, #tpu.memory_space<vmem_shared>>
      %dma_start3A_34 = tpu.memref_slice %arg12[%mul3A_7] : memref<102400xf32, #tpu.memory_space<vmem_shared>> -> memref<6400xf32, #tpu.memory_space<vmem_shared>>
      tpu.enqueue_dma source(%arg10 : memref<6400xf32, #tpu.memory_space<vmem>>) target(%dma_start3A_34 : memref<6400xf32, #tpu.memory_space<vmem_shared>>) target_semaphore(%run_scoped3A : memref<!tpu.dma_semaphore, #tpu.memory_space<semaphore_mem>>)
      %dma_wait3A = tpu.memref_slice %arg12[%mul3A_7] : memref<102400xf32, #tpu.memory_space<vmem_shared>> -> memref<6400xf32, #tpu.memory_space<vmem_shared>>
      %dma_wait3A_35 = tpu.memref_slice %arg12[%mul3A_7] : memref<102400xf32, #tpu.memory_space<vmem_shared>> -> memref<6400xf32, #tpu.memory_space<vmem_shared>>
      tpu.wait_dma2 semaphore(%run_scoped3A : memref<!tpu.dma_semaphore, #tpu.memory_space<semaphore_mem>>) src(%arg10 : memref<6400xf32, #tpu.memory_space<vmem>>) dst(%dma_wait3A_35 : memref<6400xf32, #tpu.memory_space<vmem_shared>>)
      tpu.yield
    }) : () -> ()
    %mul3A_8 = arith.constant 6400 : i32
    %mul3A_9 = arith.muli %arg1, %mul3A_8 : i32
    "tpu.region"() ({
      %run_scoped3A = tpu.sem_alloc : memref<!tpu.dma_semaphore, #tpu.memory_space<semaphore_mem>>
      %dma_start3A_33 = tpu.memref_slice %arg3[%mul3A_9] : memref<102400xf32, #tpu.memory_space<hbm>> -> memref<6400xf32, #tpu.memory_space<hbm>>
      %dma_start3A_34 = tpu.memref_slice %arg3[%mul3A_9] : memref<102400xf32, #tpu.memory_space<hbm>> -> memref<6400xf32, #tpu.memory_space<hbm>>
      tpu.enqueue_dma source(%dma_start3A_34 : memref<6400xf32, #tpu.memory_space<hbm>>) target(%arg10 : memref<6400xf32, #tpu.memory_space<vmem>>) target_semaphore(%run_scoped3A : memref<!tpu.dma_semaphore, #tpu.memory_space<semaphore_mem>>)
      %dma_wait3A = tpu.memref_slice %arg3[%mul3A_9] : memref<102400xf32, #tpu.memory_space<hbm>> -> memref<6400xf32, #tpu.memory_space<hbm>>
      %dma_wait3A_35 = tpu.memref_slice %arg3[%mul3A_9] : memref<102400xf32, #tpu.memory_space<hbm>> -> memref<6400xf32, #tpu.memory_space<hbm>>
      tpu.wait_dma2 semaphore(%run_scoped3A : memref<!tpu.dma_semaphore, #tpu.memory_space<semaphore_mem>>) src(%dma_wait3A_35 : memref<6400xf32, #tpu.memory_space<hbm>>) dst(%arg10 : memref<6400xf32, #tpu.memory_space<vmem>>)
      tpu.yield
    }) : () -> ()
    %mul3A_10 = arith.constant 6400 : i32
    %mul3A_11 = arith.muli %arg1, %mul3A_10 : i32
    "tpu.region"() ({
      %run_scoped3A = tpu.sem_alloc : memref<!tpu.dma_semaphore, #tpu.memory_space<semaphore_mem>>
      %dma_start3A_33 = tpu.memref_slice %arg11[%mul3A_11] : memref<102400xf32, #tpu.memory_space<vmem_shared>> -> memref<6400xf32, #tpu.memory_space<vmem_shared>>
      %dma_start3A_34 = tpu.memref_slice %arg11[%mul3A_11] : memref<102400xf32, #tpu.memory_space<vmem_shared>> -> memref<6400xf32, #tpu.memory_space<vmem_shared>>
      tpu.enqueue_dma source(%arg10 : memref<6400xf32, #tpu.memory_space<vmem>>) target(%dma_start3A_34 : memref<6400xf32, #tpu.memory_space<vmem_shared>>) target_semaphore(%run_scoped3A : memref<!tpu.dma_semaphore, #tpu.memory_space<semaphore_mem>>)
      %dma_wait3A = tpu.memref_slice %arg11[%mul3A_11] : memref<102400xf32, #tpu.memory_space<vmem_shared>> -> memref<6400xf32, #tpu.memory_space<vmem_shared>>
      %dma_wait3A_35 = tpu.memref_slice %arg11[%mul3A_11] : memref<102400xf32, #tpu.memory_space<vmem_shared>> -> memref<6400xf32, #tpu.memory_space<vmem_shared>>
      tpu.wait_dma2 semaphore(%run_scoped3A : memref<!tpu.dma_semaphore, #tpu.memory_space<semaphore_mem>>) src(%arg10 : memref<6400xf32, #tpu.memory_space<vmem>>) dst(%dma_wait3A_35 : memref<6400xf32, #tpu.memory_space<vmem_shared>>)
      tpu.yield
    }) : () -> ()
    %barrier3A = arith.constant 0 : index
    tpu.barrier barrier_id(%barrier3A)
    %mul3A_12 = arith.constant 100000 : i32
    %mul3A_13 = arith.muli %add3A, %mul3A_12 : i32
    %dma_start3A = tpu.memref_slice %arg2[%mul3A_13] : memref<6400000xi32, #tpu.memory_space<hbm>> -> memref<10000xi32, #tpu.memory_space<hbm>>
    %dma_start3A_14 = tpu.memref_slice %arg2[%mul3A_13] : memref<6400000xi32, #tpu.memory_space<hbm>> -> memref<10000xi32, #tpu.memory_space<hbm>>
    tpu.enqueue_dma source(%dma_start3A_14 : memref<10000xi32, #tpu.memory_space<hbm>>) target(%arg5 : memref<10000xi32, #tpu.memory_space<vmem>>) target_semaphore(%arg13 : memref<!tpu.dma_semaphore, #tpu.memory_space<semaphore_mem>>)
    %add3A_15 = arith.constant 3200000 : i32
    %add3A_16 = arith.addi %add3A_15, %mul3A_13 : i32
    %dma_start3A_17 = tpu.memref_slice %arg2[%add3A_16] : memref<6400000xi32, #tpu.memory_space<hbm>> -> memref<10000xi32, #tpu.memory_space<hbm>>
    %dma_start3A_18 = tpu.memref_slice %arg2[%add3A_16] : memref<6400000xi32, #tpu.memory_space<hbm>> -> memref<10000xi32, #tpu.memory_space<hbm>>
    tpu.enqueue_dma source(%dma_start3A_18 : memref<10000xi32, #tpu.memory_space<hbm>>) target(%arg7 : memref<10000xi32, #tpu.memory_space<vmem>>) target_semaphore(%arg15 : memref<!tpu.dma_semaphore, #tpu.memory_space<semaphore_mem>>)
    %scan3A_19 = arith.constant 0 : i32
    %scan3A_20 = arith.constant 0 : i32
    %scan3A_21 = arith.constant 5 : i32
    %scan3A_22 = arith.addi %scan3A_20, %scan3A_21 : i32
    %scan3A_23 = arith.constant 1 : i32
    scf.for %scan3A_33 = %scan3A_20 to %scan3A_22 step %scan3A_23  : i32 {
      %mul3A_34 = arith.constant 2 : i32
      %mul3A_35 = arith.muli %scan3A_33, %mul3A_34 : i32
      %add3A_36 = arith.constant 0 : i32
      %add3A_37 = arith.addi %mul3A_35, %add3A_36 : i32
      %mul3A_38 = arith.constant 10000 : i32
      %mul3A_39 = arith.muli %add3A_37, %mul3A_38 : i32
      %add3A_40 = arith.addi %mul3A_13, %mul3A_39 : i32
      %add3A_41 = arith.constant 3200000 : i32
      %add3A_42 = arith.addi %add3A_41, %mul3A_13 : i32
      %mul3A_43 = arith.constant 10000 : i32
      %mul3A_44 = arith.muli %add3A_37, %mul3A_43 : i32
      %add3A_45 = arith.addi %add3A_42, %mul3A_44 : i32
      %dma_wait3A = tpu.memref_slice %arg2[%add3A_40] : memref<6400000xi32, #tpu.memory_space<hbm>> -> memref<10000xi32, #tpu.memory_space<hbm>>
      %dma_wait3A_46 = tpu.memref_slice %arg2[%add3A_40] : memref<6400000xi32, #tpu.memory_space<hbm>> -> memref<10000xi32, #tpu.memory_space<hbm>>
      tpu.wait_dma2 semaphore(%arg13 : memref<!tpu.dma_semaphore, #tpu.memory_space<semaphore_mem>>) src(%dma_wait3A_46 : memref<10000xi32, #tpu.memory_space<hbm>>) dst(%arg5 : memref<10000xi32, #tpu.memory_space<vmem>>)
      %dma_wait3A_47 = tpu.memref_slice %arg2[%add3A_45] : memref<6400000xi32, #tpu.memory_space<hbm>> -> memref<10000xi32, #tpu.memory_space<hbm>>
      %dma_wait3A_48 = tpu.memref_slice %arg2[%add3A_45] : memref<6400000xi32, #tpu.memory_space<hbm>> -> memref<10000xi32, #tpu.memory_space<hbm>>
      tpu.wait_dma2 semaphore(%arg15 : memref<!tpu.dma_semaphore, #tpu.memory_space<semaphore_mem>>) src(%dma_wait3A_48 : memref<10000xi32, #tpu.memory_space<hbm>>) dst(%arg7 : memref<10000xi32, #tpu.memory_space<vmem>>)
      %add3A_49 = arith.constant 1 : i32
      %add3A_50 = arith.addi %add3A_37, %add3A_49 : i32
      %lt3A = arith.constant 10 : i32
      %lt3A_51 = arith.cmpi slt, %add3A_50, %lt3A : i32
      %convert_element_type3A = arith.extui %lt3A_51 : i1 to i32
      %cond3A = arith.constant 0 : i32
      %cond3A_52 = arith.cmpi ne, %convert_element_type3A, %cond3A : i32
      scf.if %cond3A_52 {
        %add3A_76 = arith.constant 1 : i32
        %add3A_77 = arith.addi %add3A_37, %add3A_76 : i32
        %mul3A_78 = arith.constant 10000 : i32
        %mul3A_79 = arith.muli %add3A_77, %mul3A_78 : i32
        %add3A_80 = arith.addi %mul3A_13, %mul3A_79 : i32
        %add3A_81 = arith.constant 3200000 : i32
        %add3A_82 = arith.addi %add3A_81, %mul3A_13 : i32
        %add3A_83 = arith.constant 1 : i32
        %add3A_84 = arith.addi %add3A_37, %add3A_83 : i32
        %mul3A_85 = arith.constant 10000 : i32
        %mul3A_86 = arith.muli %add3A_84, %mul3A_85 : i32
        %add3A_87 = arith.addi %add3A_82, %mul3A_86 : i32
        %dma_start3A_88 = tpu.memref_slice %arg2[%add3A_80] : memref<6400000xi32, #tpu.memory_space<hbm>> -> memref<10000xi32, #tpu.memory_space<hbm>>
        %dma_start3A_89 = tpu.memref_slice %arg2[%add3A_80] : memref<6400000xi32, #tpu.memory_space<hbm>> -> memref<10000xi32, #tpu.memory_space<hbm>>
        tpu.enqueue_dma source(%dma_start3A_89 : memref<10000xi32, #tpu.memory_space<hbm>>) target(%arg6 : memref<10000xi32, #tpu.memory_space<vmem>>) target_semaphore(%arg14 : memref<!tpu.dma_semaphore, #tpu.memory_space<semaphore_mem>>)
        %dma_start3A_90 = tpu.memref_slice %arg2[%add3A_87] : memref<6400000xi32, #tpu.memory_space<hbm>> -> memref<10000xi32, #tpu.memory_space<hbm>>
        %dma_start3A_91 = tpu.memref_slice %arg2[%add3A_87] : memref<6400000xi32, #tpu.memory_space<hbm>> -> memref<10000xi32, #tpu.memory_space<hbm>>
        tpu.enqueue_dma source(%dma_start3A_91 : memref<10000xi32, #tpu.memory_space<hbm>>) target(%arg8 : memref<10000xi32, #tpu.memory_space<vmem>>) target_semaphore(%arg16 : memref<!tpu.dma_semaphore, #tpu.memory_space<semaphore_mem>>)
      } else {
      }
      "tpu.region"() ({
        %run_scoped3A = tpu.sem_alloc : memref<!tpu.dma_semaphore, #tpu.memory_space<semaphore_mem>>
        %dma_start3A_76 = arith.constant 0 : i32
        %dma_start3A_77 = tpu.memref_slice %arg11[%dma_start3A_76] : memref<102400xf32, #tpu.memory_space<vmem_shared>> -> memref<102400xf32, #tpu.memory_space<vmem_shared>>
        tpu.enqueue_indirect_dma source(%dma_start3A_77 : memref<102400xf32, #tpu.memory_space<vmem_shared>>) target(%arg9 : memref<10000xf32, #tpu.memory_space<vmem>>) offsets(%arg5 : memref<10000xi32, #tpu.memory_space<vmem>>) semaphore(%run_scoped3A : memref<!tpu.dma_semaphore, #tpu.memory_space<semaphore_mem>>)
        %dma_wait3A_78 = arith.constant 0 : i32
        %dma_wait3A_79 = tpu.memref_slice %arg11[%dma_wait3A_78] : memref<102400xf32, #tpu.memory_space<vmem_shared>> -> memref<102400xf32, #tpu.memory_space<vmem_shared>>
        tpu.wait_indirect_dma semaphore(%run_scoped3A : memref<!tpu.dma_semaphore, #tpu.memory_space<semaphore_mem>>) src(%dma_wait3A_79 : memref<102400xf32, #tpu.memory_space<vmem_shared>>) dst(%arg9 : memref<10000xf32, #tpu.memory_space<vmem>>)
        tpu.yield
      }) : () -> ()
      "tpu.region"() ({
        %run_scoped3A = tpu.sem_alloc : memref<!tpu.dma_semaphore, #tpu.memory_space<semaphore_mem>>
        %dma_start3A_76 = arith.constant 0 : i32
        %dma_start3A_77 = tpu.memref_slice %arg12[%dma_start3A_76] : memref<102400xf32, #tpu.memory_space<vmem_shared>> -> memref<102400xf32, #tpu.memory_space<vmem_shared>>
        tpu.enqueue_indirect_dma source(%arg9 : memref<10000xf32, #tpu.memory_space<vmem>>) target(%dma_start3A_77 : memref<102400xf32, #tpu.memory_space<vmem_shared>>) offsets(%arg7 : memref<10000xi32, #tpu.memory_space<vmem>>) semaphore(%run_scoped3A : memref<!tpu.dma_semaphore, #tpu.memory_space<semaphore_mem>>) {add = true}
        %dma_wait3A_78 = arith.constant 0 : i32
        %dma_wait3A_79 = tpu.memref_slice %arg12[%dma_wait3A_78] : memref<102400xf32, #tpu.memory_space<vmem_shared>> -> memref<102400xf32, #tpu.memory_space<vmem_shared>>
        tpu.wait_indirect_dma semaphore(%run_scoped3A : memref<!tpu.dma_semaphore, #tpu.memory_space<semaphore_mem>>) src(%arg9 : memref<10000xf32, #tpu.memory_space<vmem>>) dst(%dma_wait3A_79 : memref<102400xf32, #tpu.memory_space<vmem_shared>>)
        tpu.yield
      }) : () -> ()
      %mul3A_53 = arith.constant 2 : i32
      %mul3A_54 = arith.muli %scan3A_33, %mul3A_53 : i32
      %add3A_55 = arith.constant 1 : i32
      %add3A_56 = arith.addi %mul3A_54, %add3A_55 : i32
      %mul3A_57 = arith.constant 10000 : i32
      %mul3A_58 = arith.muli %add3A_56, %mul3A_57 : i32
      %add3A_59 = arith.addi %mul3A_13, %mul3A_58 : i32
      %add3A_60 = arith.constant 3200000 : i32
      %add3A_61 = arith.addi %add3A_60, %mul3A_13 : i32
      %mul3A_62 = arith.constant 10000 : i32
      %mul3A_63 = arith.muli %add3A_56, %mul3A_62 : i32
      %add3A_64 = arith.addi %add3A_61, %mul3A_63 : i32
      %dma_wait3A_65 = tpu.memref_slice %arg2[%add3A_59] : memref<6400000xi32, #tpu.memory_space<hbm>> -> memref<10000xi32, #tpu.memory_space<hbm>>
      %dma_wait3A_66 = tpu.memref_slice %arg2[%add3A_59] : memref<6400000xi32, #tpu.memory_space<hbm>> -> memref<10000xi32, #tpu.memory_space<hbm>>
      tpu.wait_dma2 semaphore(%arg14 : memref<!tpu.dma_semaphore, #tpu.memory_space<semaphore_mem>>) src(%dma_wait3A_66 : memref<10000xi32, #tpu.memory_space<hbm>>) dst(%arg6 : memref<10000xi32, #tpu.memory_space<vmem>>)
      %dma_wait3A_67 = tpu.memref_slice %arg2[%add3A_64] : memref<6400000xi32, #tpu.memory_space<hbm>> -> memref<10000xi32, #tpu.memory_space<hbm>>
      %dma_wait3A_68 = tpu.memref_slice %arg2[%add3A_64] : memref<6400000xi32, #tpu.memory_space<hbm>> -> memref<10000xi32, #tpu.memory_space<hbm>>
      tpu.wait_dma2 semaphore(%arg16 : memref<!tpu.dma_semaphore, #tpu.memory_space<semaphore_mem>>) src(%dma_wait3A_68 : memref<10000xi32, #tpu.memory_space<hbm>>) dst(%arg8 : memref<10000xi32, #tpu.memory_space<vmem>>)
      %add3A_69 = arith.constant 1 : i32
      %add3A_70 = arith.addi %add3A_56, %add3A_69 : i32
      %lt3A_71 = arith.constant 10 : i32
      %lt3A_72 = arith.cmpi slt, %add3A_70, %lt3A_71 : i32
      %convert_element_type3A_73 = arith.extui %lt3A_72 : i1 to i32
      %cond3A_74 = arith.constant 0 : i32
      %cond3A_75 = arith.cmpi ne, %convert_element_type3A_73, %cond3A_74 : i32
      scf.if %cond3A_75 {
        %add3A_76 = arith.constant 1 : i32
        %add3A_77 = arith.addi %add3A_56, %add3A_76 : i32
        %mul3A_78 = arith.constant 10000 : i32
        %mul3A_79 = arith.muli %add3A_77, %mul3A_78 : i32
        %add3A_80 = arith.addi %mul3A_13, %mul3A_79 : i32
        %add3A_81 = arith.constant 3200000 : i32
        %add3A_82 = arith.addi %add3A_81, %mul3A_13 : i32
        %add3A_83 = arith.constant 1 : i32
        %add3A_84 = arith.addi %add3A_56, %add3A_83 : i32
        %mul3A_85 = arith.constant 10000 : i32
        %mul3A_86 = arith.muli %add3A_84, %mul3A_85 : i32
        %add3A_87 = arith.addi %add3A_82, %mul3A_86 : i32
        %dma_start3A_88 = tpu.memref_slice %arg2[%add3A_80] : memref<6400000xi32, #tpu.memory_space<hbm>> -> memref<10000xi32, #tpu.memory_space<hbm>>
        %dma_start3A_89 = tpu.memref_slice %arg2[%add3A_80] : memref<6400000xi32, #tpu.memory_space<hbm>> -> memref<10000xi32, #tpu.memory_space<hbm>>
        tpu.enqueue_dma source(%dma_start3A_89 : memref<10000xi32, #tpu.memory_space<hbm>>) target(%arg5 : memref<10000xi32, #tpu.memory_space<vmem>>) target_semaphore(%arg13 : memref<!tpu.dma_semaphore, #tpu.memory_space<semaphore_mem>>)
        %dma_start3A_90 = tpu.memref_slice %arg2[%add3A_87] : memref<6400000xi32, #tpu.memory_space<hbm>> -> memref<10000xi32, #tpu.memory_space<hbm>>
        %dma_start3A_91 = tpu.memref_slice %arg2[%add3A_87] : memref<6400000xi32, #tpu.memory_space<hbm>> -> memref<10000xi32, #tpu.memory_space<hbm>>
        tpu.enqueue_dma source(%dma_start3A_91 : memref<10000xi32, #tpu.memory_space<hbm>>) target(%arg7 : memref<10000xi32, #tpu.memory_space<vmem>>) target_semaphore(%arg15 : memref<!tpu.dma_semaphore, #tpu.memory_space<semaphore_mem>>)
      } else {
      }
      "tpu.region"() ({
        %run_scoped3A = tpu.sem_alloc : memref<!tpu.dma_semaphore, #tpu.memory_space<semaphore_mem>>
        %dma_start3A_76 = arith.constant 0 : i32
        %dma_start3A_77 = tpu.memref_slice %arg11[%dma_start3A_76] : memref<102400xf32, #tpu.memory_space<vmem_shared>> -> memref<102400xf32, #tpu.memory_space<vmem_shared>>
        tpu.enqueue_indirect_dma source(%dma_start3A_77 : memref<102400xf32, #tpu.memory_space<vmem_shared>>) target(%arg9 : memref<10000xf32, #tpu.memory_space<vmem>>) offsets(%arg6 : memref<10000xi32, #tpu.memory_space<vmem>>) semaphore(%run_scoped3A : memref<!tpu.dma_semaphore, #tpu.memory_space<semaphore_mem>>)
        %dma_wait3A_78 = arith.constant 0 : i32
        %dma_wait3A_79 = tpu.memref_slice %arg11[%dma_wait3A_78] : memref<102400xf32, #tpu.memory_space<vmem_shared>> -> memref<102400xf32, #tpu.memory_space<vmem_shared>>
        tpu.wait_indirect_dma semaphore(%run_scoped3A : memref<!tpu.dma_semaphore, #tpu.memory_space<semaphore_mem>>) src(%dma_wait3A_79 : memref<102400xf32, #tpu.memory_space<vmem_shared>>) dst(%arg9 : memref<10000xf32, #tpu.memory_space<vmem>>)
        tpu.yield
      }) : () -> ()
      "tpu.region"() ({
        %run_scoped3A = tpu.sem_alloc : memref<!tpu.dma_semaphore, #tpu.memory_space<semaphore_mem>>
        %dma_start3A_76 = arith.constant 0 : i32
        %dma_start3A_77 = tpu.memref_slice %arg12[%dma_start3A_76] : memref<102400xf32, #tpu.memory_space<vmem_shared>> -> memref<102400xf32, #tpu.memory_space<vmem_shared>>
        tpu.enqueue_indirect_dma source(%arg9 : memref<10000xf32, #tpu.memory_space<vmem>>) target(%dma_start3A_77 : memref<102400xf32, #tpu.memory_space<vmem_shared>>) offsets(%arg8 : memref<10000xi32, #tpu.memory_space<vmem>>) semaphore(%run_scoped3A : memref<!tpu.dma_semaphore, #tpu.memory_space<semaphore_mem>>) {add = true}
        %dma_wait3A_78 = arith.constant 0 : i32
        %dma_wait3A_79 = tpu.memref_slice %arg12[%dma_wait3A_78] : memref<102400xf32, #tpu.memory_space<vmem_shared>> -> memref<102400xf32, #tpu.memory_space<vmem_shared>>
        tpu.wait_indirect_dma semaphore(%run_scoped3A : memref<!tpu.dma_semaphore, #tpu.memory_space<semaphore_mem>>) src(%arg9 : memref<10000xf32, #tpu.memory_space<vmem>>) dst(%dma_wait3A_79 : memref<102400xf32, #tpu.memory_space<vmem_shared>>)
        tpu.yield
      }) : () -> ()
    }
    %scan3A_24 = arith.constant 5 : i32
    %barrier3A_25 = arith.constant 0 : index
    tpu.barrier barrier_id(%barrier3A_25)
    %mul3A_26 = arith.constant 6400 : i32
    %mul3A_27 = arith.muli %arg1, %mul3A_26 : i32
    "tpu.region"() ({
      %run_scoped3A = tpu.sem_alloc : memref<!tpu.dma_semaphore, #tpu.memory_space<semaphore_mem>>
      %dma_start3A_33 = tpu.memref_slice %arg12[%mul3A_27] : memref<102400xf32, #tpu.memory_space<vmem_shared>> -> memref<6400xf32, #tpu.memory_space<vmem_shared>>
      %dma_start3A_34 = tpu.memref_slice %arg12[%mul3A_27] : memref<102400xf32, #tpu.memory_space<vmem_shared>> -> memref<6400xf32, #tpu.memory_space<vmem_shared>>
      tpu.enqueue_dma source(%dma_start3A_34 : memref<6400xf32, #tpu.memory_space<vmem_shared>>) target(%arg10 : memref<6400xf32, #tpu.memory_space<vmem>>) target_semaphore(%run_scoped3A : memref<!tpu.dma_semaphore, #tpu.memory_space<semaphore_mem>>)
      %dma_wait3A = tpu.memref_slice %arg12[%mul3A_27] : memref<102400xf32, #tpu.memory_space<vmem_shared>> -> memref<6400xf32, #tpu.memory_space<vmem_shared>>
      %dma_wait3A_35 = tpu.memref_slice %arg12[%mul3A_27] : memref<102400xf32, #tpu.memory_space<vmem_shared>> -> memref<6400xf32, #tpu.memory_space<vmem_shared>>
      tpu.wait_dma2 semaphore(%run_scoped3A : memref<!tpu.dma_semaphore, #tpu.memory_space<semaphore_mem>>) src(%dma_wait3A_35 : memref<6400xf32, #tpu.memory_space<vmem_shared>>) dst(%arg10 : memref<6400xf32, #tpu.memory_space<vmem>>)
      tpu.yield
    }) : () -> ()
    %mul3A_28 = arith.constant 102400 : i32
    %mul3A_29 = arith.muli %arg0, %mul3A_28 : i32
    %mul3A_30 = arith.constant 6400 : i32
    %mul3A_31 = arith.muli %arg1, %mul3A_30 : i32
    %add3A_32 = arith.addi %mul3A_29, %mul3A_31 : i32
    "tpu.region"() ({
      %run_scoped3A = tpu.sem_alloc : memref<!tpu.dma_semaphore, #tpu.memory_space<semaphore_mem>>
      %dma_start3A_33 = tpu.memref_slice %arg4[%add3A_32] : memref<204800xf32, #tpu.memory_space<hbm>> -> memref<6400xf32, #tpu.memory_space<hbm>>
      %dma_start3A_34 = tpu.memref_slice %arg4[%add3A_32] : memref<204800xf32, #tpu.memory_space<hbm>> -> memref<6400xf32, #tpu.memory_space<hbm>>
      tpu.enqueue_dma source(%arg10 : memref<6400xf32, #tpu.memory_space<vmem>>) target(%dma_start3A_34 : memref<6400xf32, #tpu.memory_space<hbm>>) target_semaphore(%run_scoped3A : memref<!tpu.dma_semaphore, #tpu.memory_space<semaphore_mem>>)
      %dma_wait3A = tpu.memref_slice %arg4[%add3A_32] : memref<204800xf32, #tpu.memory_space<hbm>> -> memref<6400xf32, #tpu.memory_space<hbm>>
      %dma_wait3A_35 = tpu.memref_slice %arg4[%add3A_32] : memref<204800xf32, #tpu.memory_space<hbm>> -> memref<6400xf32, #tpu.memory_space<hbm>>
      tpu.wait_dma2 semaphore(%run_scoped3A : memref<!tpu.dma_semaphore, #tpu.memory_space<semaphore_mem>>) src(%arg10 : memref<6400xf32, #tpu.memory_space<vmem>>) dst(%dma_wait3A_35 : memref<6400xf32, #tpu.memory_space<hbm>>)
      tpu.yield
    }) : () -> ()
    return
  }
}

#map = affine_map<(d0, d1) -> (0)>
module attributes {stable_mosaic.version = 14 : i64} {
  func.func @indeg(%arg0: i32, %arg1: i32, %arg2: memref<6400000xi32, #tpu.memory_space<hbm>>, %arg3: memref<204800xf32, #tpu.memory_space<hbm>>, %arg4: memref<10000xi32, #tpu.memory_space<vmem>>, %arg5: memref<10000xi32, #tpu.memory_space<vmem>>, %arg6: memref<10000xf32, #tpu.memory_space<vmem>>, %arg7: memref<6400xf32, #tpu.memory_space<vmem>>, %arg8: memref<102400xf32, #tpu.memory_space<vmem_shared>>, %arg9: memref<!tpu.dma_semaphore, #tpu.memory_space<semaphore_mem>>, %arg10: memref<!tpu.dma_semaphore, #tpu.memory_space<semaphore_mem>>) attributes {dimension_semantics = [#tpu.dimension_semantics<core_parallel>, #tpu.dimension_semantics<subcore_parallel>], iteration_bounds = array<i64: 2, 16>, scalar_prefetch = 0 : i64, scratch_operands = 7 : i64, tpu.core_type = #tpu.core_type<sc_vector_subcore>, window_params = [{transform_indices = #map}, {transform_indices = #map}]} {
    %mul3A = arith.constant 2 : i32
    %mul3A_0 = arith.muli %arg1, %mul3A : i32
    %add3A = arith.addi %mul3A_0, %arg0 : i32
    %scan3A = arith.constant 0 : i32
    %scan3A_1 = arith.constant 0 : i32
    %scan3A_2 = arith.constant 625 : i32
    %scan3A_3 = arith.addi %scan3A_1, %scan3A_2 : i32
    %scan3A_4 = arith.constant 1 : i32
    scf.for %scan3A_33 = %scan3A_1 to %scan3A_3 step %scan3A_4  : i32 {
      %broadcast_in_dim3A = arith.constant 1.000000e+00 : f32
      %broadcast_in_dim3A_34 = vector.broadcast %broadcast_in_dim3A : f32 to vector<16xf32>
      %mul3A_35 = arith.constant 16 : i32
      %mul3A_36 = arith.muli %scan3A_33, %mul3A_35 : i32
      %swap3A = arith.index_cast %mul3A_36 : i32 to index
      %swap3A_37 = tpu.vector_load %arg6[%swap3A] {strides = array<i32>} : memref<10000xf32, #tpu.memory_space<vmem>>, vector<16xf32>,
      %swap3A_38 = vector.shape_cast %swap3A_37 : vector<16xf32> to vector<16xf32>
      %swap3A_39 = vector.shape_cast %broadcast_in_dim3A_34 : vector<16xf32> to vector<16xf32>
      tpu.vector_store %arg6[%swap3A], %swap3A_39 {strides = array<i32>} : memref<10000xf32, #tpu.memory_space<vmem>>, vector<16xf32>,
    }
    %scan3A_5 = arith.constant 625 : i32
    %scan3A_6 = arith.constant 0 : i32
    %scan3A_7 = arith.constant 0 : i32
    %scan3A_8 = arith.constant 400 : i32
    %scan3A_9 = arith.addi %scan3A_7, %scan3A_8 : i32
    %scan3A_10 = arith.constant 1 : i32
    scf.for %scan3A_33 = %scan3A_7 to %scan3A_9 step %scan3A_10  : i32 {
      %broadcast_in_dim3A = arith.constant 0.000000e+00 : f32
      %broadcast_in_dim3A_34 = vector.broadcast %broadcast_in_dim3A : f32 to vector<16xf32>
      %mul3A_35 = arith.constant 16 : i32
      %mul3A_36 = arith.muli %scan3A_33, %mul3A_35 : i32
      %swap3A = arith.index_cast %mul3A_36 : i32 to index
      %swap3A_37 = tpu.vector_load %arg7[%swap3A] {strides = array<i32>} : memref<6400xf32, #tpu.memory_space<vmem>>, vector<16xf32>,
      %swap3A_38 = vector.shape_cast %swap3A_37 : vector<16xf32> to vector<16xf32>
      %swap3A_39 = vector.shape_cast %broadcast_in_dim3A_34 : vector<16xf32> to vector<16xf32>
      tpu.vector_store %arg7[%swap3A], %swap3A_39 {strides = array<i32>} : memref<6400xf32, #tpu.memory_space<vmem>>, vector<16xf32>,
    }
    %scan3A_11 = arith.constant 400 : i32
    %mul3A_12 = arith.constant 6400 : i32
    %mul3A_13 = arith.muli %arg1, %mul3A_12 : i32
    "tpu.region"() ({
      %run_scoped3A = tpu.sem_alloc : memref<!tpu.dma_semaphore, #tpu.memory_space<semaphore_mem>>
      %dma_start3A_33 = tpu.memref_slice %arg8[%mul3A_13] : memref<102400xf32, #tpu.memory_space<vmem_shared>> -> memref<6400xf32, #tpu.memory_space<vmem_shared>>
      %dma_start3A_34 = tpu.memref_slice %arg8[%mul3A_13] : memref<102400xf32, #tpu.memory_space<vmem_shared>> -> memref<6400xf32, #tpu.memory_space<vmem_shared>>
      tpu.enqueue_dma source(%arg7 : memref<6400xf32, #tpu.memory_space<vmem>>) target(%dma_start3A_34 : memref<6400xf32, #tpu.memory_space<vmem_shared>>) target_semaphore(%run_scoped3A : memref<!tpu.dma_semaphore, #tpu.memory_space<semaphore_mem>>)
      %dma_wait3A = tpu.memref_slice %arg8[%mul3A_13] : memref<102400xf32, #tpu.memory_space<vmem_shared>> -> memref<6400xf32, #tpu.memory_space<vmem_shared>>
      %dma_wait3A_35 = tpu.memref_slice %arg8[%mul3A_13] : memref<102400xf32, #tpu.memory_space<vmem_shared>> -> memref<6400xf32, #tpu.memory_space<vmem_shared>>
      tpu.wait_dma2 semaphore(%run_scoped3A : memref<!tpu.dma_semaphore, #tpu.memory_space<semaphore_mem>>) src(%arg7 : memref<6400xf32, #tpu.memory_space<vmem>>) dst(%dma_wait3A_35 : memref<6400xf32, #tpu.memory_space<vmem_shared>>)
      tpu.yield
    }) : () -> ()
    %barrier3A = arith.constant 0 : index
    tpu.barrier barrier_id(%barrier3A)
    %mul3A_14 = arith.constant 100000 : i32
    %mul3A_15 = arith.muli %add3A, %mul3A_14 : i32
    %add3A_16 = arith.constant 3200000 : i32
    %add3A_17 = arith.addi %add3A_16, %mul3A_15 : i32
    %dma_start3A = tpu.memref_slice %arg2[%add3A_17] : memref<6400000xi32, #tpu.memory_space<hbm>> -> memref<10000xi32, #tpu.memory_space<hbm>>
    %dma_start3A_18 = tpu.memref_slice %arg2[%add3A_17] : memref<6400000xi32, #tpu.memory_space<hbm>> -> memref<10000xi32, #tpu.memory_space<hbm>>
    tpu.enqueue_dma source(%dma_start3A_18 : memref<10000xi32, #tpu.memory_space<hbm>>) target(%arg4 : memref<10000xi32, #tpu.memory_space<vmem>>) target_semaphore(%arg9 : memref<!tpu.dma_semaphore, #tpu.memory_space<semaphore_mem>>)
    %scan3A_19 = arith.constant 0 : i32
    %scan3A_20 = arith.constant 0 : i32
    %scan3A_21 = arith.constant 5 : i32
    %scan3A_22 = arith.addi %scan3A_20, %scan3A_21 : i32
    %scan3A_23 = arith.constant 1 : i32
    scf.for %scan3A_33 = %scan3A_20 to %scan3A_22 step %scan3A_23  : i32 {
      %mul3A_34 = arith.constant 2 : i32
      %mul3A_35 = arith.muli %scan3A_33, %mul3A_34 : i32
      %add3A_36 = arith.constant 0 : i32
      %add3A_37 = arith.addi %mul3A_35, %add3A_36 : i32
      %mul3A_38 = arith.constant 10000 : i32
      %mul3A_39 = arith.muli %add3A_37, %mul3A_38 : i32
      %add3A_40 = arith.addi %add3A_17, %mul3A_39 : i32
      %dma_wait3A = tpu.memref_slice %arg2[%add3A_40] : memref<6400000xi32, #tpu.memory_space<hbm>> -> memref<10000xi32, #tpu.memory_space<hbm>>
      %dma_wait3A_41 = tpu.memref_slice %arg2[%add3A_40] : memref<6400000xi32, #tpu.memory_space<hbm>> -> memref<10000xi32, #tpu.memory_space<hbm>>
      tpu.wait_dma2 semaphore(%arg9 : memref<!tpu.dma_semaphore, #tpu.memory_space<semaphore_mem>>) src(%dma_wait3A_41 : memref<10000xi32, #tpu.memory_space<hbm>>) dst(%arg4 : memref<10000xi32, #tpu.memory_space<vmem>>)
      %add3A_42 = arith.constant 1 : i32
      %add3A_43 = arith.addi %add3A_37, %add3A_42 : i32
      %lt3A = arith.constant 10 : i32
      %lt3A_44 = arith.cmpi slt, %add3A_43, %lt3A : i32
      %convert_element_type3A = arith.extui %lt3A_44 : i1 to i32
      %cond3A = arith.constant 0 : i32
      %cond3A_45 = arith.cmpi ne, %convert_element_type3A, %cond3A : i32
      scf.if %cond3A_45 {
        %add3A_62 = arith.constant 1 : i32
        %add3A_63 = arith.addi %add3A_37, %add3A_62 : i32
        %mul3A_64 = arith.constant 10000 : i32
        %mul3A_65 = arith.muli %add3A_63, %mul3A_64 : i32
        %add3A_66 = arith.addi %add3A_17, %mul3A_65 : i32
        %dma_start3A_67 = tpu.memref_slice %arg2[%add3A_66] : memref<6400000xi32, #tpu.memory_space<hbm>> -> memref<10000xi32, #tpu.memory_space<hbm>>
        %dma_start3A_68 = tpu.memref_slice %arg2[%add3A_66] : memref<6400000xi32, #tpu.memory_space<hbm>> -> memref<10000xi32, #tpu.memory_space<hbm>>
        tpu.enqueue_dma source(%dma_start3A_68 : memref<10000xi32, #tpu.memory_space<hbm>>) target(%arg5 : memref<10000xi32, #tpu.memory_space<vmem>>) target_semaphore(%arg10 : memref<!tpu.dma_semaphore, #tpu.memory_space<semaphore_mem>>)
      } else {
      }
      "tpu.region"() ({
        %run_scoped3A = tpu.sem_alloc : memref<!tpu.dma_semaphore, #tpu.memory_space<semaphore_mem>>
        %dma_start3A_62 = arith.constant 0 : i32
        %dma_start3A_63 = tpu.memref_slice %arg8[%dma_start3A_62] : memref<102400xf32, #tpu.memory_space<vmem_shared>> -> memref<102400xf32, #tpu.memory_space<vmem_shared>>
        tpu.enqueue_indirect_dma source(%arg6 : memref<10000xf32, #tpu.memory_space<vmem>>) target(%dma_start3A_63 : memref<102400xf32, #tpu.memory_space<vmem_shared>>) offsets(%arg4 : memref<10000xi32, #tpu.memory_space<vmem>>) semaphore(%run_scoped3A : memref<!tpu.dma_semaphore, #tpu.memory_space<semaphore_mem>>) {add = true}
        %dma_wait3A_64 = arith.constant 0 : i32
        %dma_wait3A_65 = tpu.memref_slice %arg8[%dma_wait3A_64] : memref<102400xf32, #tpu.memory_space<vmem_shared>> -> memref<102400xf32, #tpu.memory_space<vmem_shared>>
        tpu.wait_indirect_dma semaphore(%run_scoped3A : memref<!tpu.dma_semaphore, #tpu.memory_space<semaphore_mem>>) src(%arg6 : memref<10000xf32, #tpu.memory_space<vmem>>) dst(%dma_wait3A_65 : memref<102400xf32, #tpu.memory_space<vmem_shared>>)
        tpu.yield
      }) : () -> ()
      %mul3A_46 = arith.constant 2 : i32
      %mul3A_47 = arith.muli %scan3A_33, %mul3A_46 : i32
      %add3A_48 = arith.constant 1 : i32
      %add3A_49 = arith.addi %mul3A_47, %add3A_48 : i32
      %mul3A_50 = arith.constant 10000 : i32
      %mul3A_51 = arith.muli %add3A_49, %mul3A_50 : i32
      %add3A_52 = arith.addi %add3A_17, %mul3A_51 : i32
      %dma_wait3A_53 = tpu.memref_slice %arg2[%add3A_52] : memref<6400000xi32, #tpu.memory_space<hbm>> -> memref<10000xi32, #tpu.memory_space<hbm>>
      %dma_wait3A_54 = tpu.memref_slice %arg2[%add3A_52] : memref<6400000xi32, #tpu.memory_space<hbm>> -> memref<10000xi32, #tpu.memory_space<hbm>>
      tpu.wait_dma2 semaphore(%arg10 : memref<!tpu.dma_semaphore, #tpu.memory_space<semaphore_mem>>) src(%dma_wait3A_54 : memref<10000xi32, #tpu.memory_space<hbm>>) dst(%arg5 : memref<10000xi32, #tpu.memory_space<vmem>>)
      %add3A_55 = arith.constant 1 : i32
      %add3A_56 = arith.addi %add3A_49, %add3A_55 : i32
      %lt3A_57 = arith.constant 10 : i32
      %lt3A_58 = arith.cmpi slt, %add3A_56, %lt3A_57 : i32
      %convert_element_type3A_59 = arith.extui %lt3A_58 : i1 to i32
      %cond3A_60 = arith.constant 0 : i32
      %cond3A_61 = arith.cmpi ne, %convert_element_type3A_59, %cond3A_60 : i32
      scf.if %cond3A_61 {
        %add3A_62 = arith.constant 1 : i32
        %add3A_63 = arith.addi %add3A_49, %add3A_62 : i32
        %mul3A_64 = arith.constant 10000 : i32
        %mul3A_65 = arith.muli %add3A_63, %mul3A_64 : i32
        %add3A_66 = arith.addi %add3A_17, %mul3A_65 : i32
        %dma_start3A_67 = tpu.memref_slice %arg2[%add3A_66] : memref<6400000xi32, #tpu.memory_space<hbm>> -> memref<10000xi32, #tpu.memory_space<hbm>>
        %dma_start3A_68 = tpu.memref_slice %arg2[%add3A_66] : memref<6400000xi32, #tpu.memory_space<hbm>> -> memref<10000xi32, #tpu.memory_space<hbm>>
        tpu.enqueue_dma source(%dma_start3A_68 : memref<10000xi32, #tpu.memory_space<hbm>>) target(%arg4 : memref<10000xi32, #tpu.memory_space<vmem>>) target_semaphore(%arg9 : memref<!tpu.dma_semaphore, #tpu.memory_space<semaphore_mem>>)
      } else {
      }
      "tpu.region"() ({
        %run_scoped3A = tpu.sem_alloc : memref<!tpu.dma_semaphore, #tpu.memory_space<semaphore_mem>>
        %dma_start3A_62 = arith.constant 0 : i32
        %dma_start3A_63 = tpu.memref_slice %arg8[%dma_start3A_62] : memref<102400xf32, #tpu.memory_space<vmem_shared>> -> memref<102400xf32, #tpu.memory_space<vmem_shared>>
        tpu.enqueue_indirect_dma source(%arg6 : memref<10000xf32, #tpu.memory_space<vmem>>) target(%dma_start3A_63 : memref<102400xf32, #tpu.memory_space<vmem_shared>>) offsets(%arg5 : memref<10000xi32, #tpu.memory_space<vmem>>) semaphore(%run_scoped3A : memref<!tpu.dma_semaphore, #tpu.memory_space<semaphore_mem>>) {add = true}
        %dma_wait3A_64 = arith.constant 0 : i32
        %dma_wait3A_65 = tpu.memref_slice %arg8[%dma_wait3A_64] : memref<102400xf32, #tpu.memory_space<vmem_shared>> -> memref<102400xf32, #tpu.memory_space<vmem_shared>>
        tpu.wait_indirect_dma semaphore(%run_scoped3A : memref<!tpu.dma_semaphore, #tpu.memory_space<semaphore_mem>>) src(%arg6 : memref<10000xf32, #tpu.memory_space<vmem>>) dst(%dma_wait3A_65 : memref<102400xf32, #tpu.memory_space<vmem_shared>>)
        tpu.yield
      }) : () -> ()
    }
    %scan3A_24 = arith.constant 5 : i32
    %barrier3A_25 = arith.constant 0 : index
    tpu.barrier barrier_id(%barrier3A_25)
    %mul3A_26 = arith.constant 6400 : i32
    %mul3A_27 = arith.muli %arg1, %mul3A_26 : i32
    "tpu.region"() ({
      %run_scoped3A = tpu.sem_alloc : memref<!tpu.dma_semaphore, #tpu.memory_space<semaphore_mem>>
      %dma_start3A_33 = tpu.memref_slice %arg8[%mul3A_27] : memref<102400xf32, #tpu.memory_space<vmem_shared>> -> memref<6400xf32, #tpu.memory_space<vmem_shared>>
      %dma_start3A_34 = tpu.memref_slice %arg8[%mul3A_27] : memref<102400xf32, #tpu.memory_space<vmem_shared>> -> memref<6400xf32, #tpu.memory_space<vmem_shared>>
      tpu.enqueue_dma source(%dma_start3A_34 : memref<6400xf32, #tpu.memory_space<vmem_shared>>) target(%arg7 : memref<6400xf32, #tpu.memory_space<vmem>>) target_semaphore(%run_scoped3A : memref<!tpu.dma_semaphore, #tpu.memory_space<semaphore_mem>>)
      %dma_wait3A = tpu.memref_slice %arg8[%mul3A_27] : memref<102400xf32, #tpu.memory_space<vmem_shared>> -> memref<6400xf32, #tpu.memory_space<vmem_shared>>
      %dma_wait3A_35 = tpu.memref_slice %arg8[%mul3A_27] : memref<102400xf32, #tpu.memory_space<vmem_shared>> -> memref<6400xf32, #tpu.memory_space<vmem_shared>>
      tpu.wait_dma2 semaphore(%run_scoped3A : memref<!tpu.dma_semaphore, #tpu.memory_space<semaphore_mem>>) src(%dma_wait3A_35 : memref<6400xf32, #tpu.memory_space<vmem_shared>>) dst(%arg7 : memref<6400xf32, #tpu.memory_space<vmem>>)
      tpu.yield
    }) : () -> ()
    %mul3A_28 = arith.constant 102400 : i32
    %mul3A_29 = arith.muli %arg0, %mul3A_28 : i32
    %mul3A_30 = arith.constant 6400 : i32
    %mul3A_31 = arith.muli %arg1, %mul3A_30 : i32
    %add3A_32 = arith.addi %mul3A_29, %mul3A_31 : i32
    "tpu.region"() ({
      %run_scoped3A = tpu.sem_alloc : memref<!tpu.dma_semaphore, #tpu.memory_space<semaphore_mem>>
      %dma_start3A_33 = tpu.memref_slice %arg3[%add3A_32] : memref<204800xf32, #tpu.memory_space<hbm>> -> memref<6400xf32, #tpu.memory_space<hbm>>
      %dma_start3A_34 = tpu.memref_slice %arg3[%add3A_32] : memref<204800xf32, #tpu.memory_space<hbm>> -> memref<6400xf32, #tpu.memory_space<hbm>>
      tpu.enqueue_dma source(%arg7 : memref<6400xf32, #tpu.memory_space<vmem>>) target(%dma_start3A_34 : memref<6400xf32, #tpu.memory_space<hbm>>) target_semaphore(%run_scoped3A : memref<!tpu.dma_semaphore, #tpu.memory_space<semaphore_mem>>)
      %dma_wait3A = tpu.memref_slice %arg3[%add3A_32] : memref<204800xf32, #tpu.memory_space<hbm>> -> memref<6400xf32, #tpu.memory_space<hbm>>
      %dma_wait3A_35 = tpu.memref_slice %arg3[%add3A_32] : memref<204800xf32, #tpu.memory_space<hbm>> -> memref<6400xf32, #tpu.memory_space<hbm>>
      tpu.wait_dma2 semaphore(%run_scoped3A : memref<!tpu.dma_semaphore, #tpu.memory_space<semaphore_mem>>) src(%arg7 : memref<6400xf32, #tpu.memory_space<vmem>>) dst(%dma_wait3A_35 : memref<6400xf32, #tpu.memory_space<hbm>>)
      tpu.yield
    }) : () -> ()
    return
  }
}

module attributes {stable_mosaic.version = 14 : i64} {
  func.func @_scale_body(%arg0: i32, %arg1: memref<25600xf32, #tpu.memory_space<vmem>>, %arg2: memref<25600xf32, #tpu.memory_space<vmem>>, %arg3: memref<25600xf32, #tpu.memory_space<vmem>>, %arg4: memref<25600xf32, #tpu.memory_space<vmem>>, %arg5: memref<25600xf32, #tpu.memory_space<vmem>>) attributes {dimension_semantics = [#tpu.dimension_semantics<arbitrary>], iteration_bounds = array<i64: 4>, scalar_prefetch = 0 : i64, scratch_operands = 0 : i64, tpu.core_type = #tpu.core_type<tc>, window_params = [{transform_indices = @transform_0, window_bounds = array<i64: 25600>}, {transform_indices = @transform_1, window_bounds = array<i64: 25600>}, {transform_indices = @transform_2, window_bounds = array<i64: 25600>}, {transform_indices = @transform_3, window_bounds = array<i64: 25600>}, {transform_indices = @transform_4, window_bounds = array<i64: 25600>}]} {
    %get3A = arith.constant 0 : index
    %get3A_0 = vector.load %arg2[%get3A] : memref<25600xf32, #tpu.memory_space<vmem>>, vector<25600xf32>
    %get3A_1 = arith.constant 0 : index
    %get3A_2 = vector.load %arg3[%get3A_1] : memref<25600xf32, #tpu.memory_space<vmem>>, vector<25600xf32>
    %add3A = arith.addf %get3A_0, %get3A_2 : vector<25600xf32>
    %add3A_3 = arith.constant 1.000000e+00 : f32
    %add3A_4 = vector.broadcast %add3A_3 : f32 to vector<25600xf32>
    %add3A_5 = arith.addf %add3A, %add3A_4 : vector<25600xf32>
    %rsqrt3A = math.rsqrt %add3A_5 : vector<25600xf32>
    %swap3A = arith.constant 0 : index
    %swap3A_6 = vector.load %arg4[%swap3A] : memref<25600xf32, #tpu.memory_space<vmem>>, vector<25600xf32>
    tpu.vector_store %arg4[%swap3A], %rsqrt3A {strides = array<i32>} : memref<25600xf32, #tpu.memory_space<vmem>>, vector<25600xf32>,
    %get3A_7 = arith.constant 0 : index
    %get3A_8 = vector.load %arg1[%get3A_7] : memref<25600xf32, #tpu.memory_space<vmem>>, vector<25600xf32>
    %mul3A = arith.mulf %rsqrt3A, %get3A_8 : vector<25600xf32>
    %swap3A_9 = arith.constant 0 : index
    %swap3A_10 = vector.load %arg5[%swap3A_9] : memref<25600xf32, #tpu.memory_space<vmem>>, vector<25600xf32>
    tpu.vector_store %arg5[%swap3A_9], %mul3A {strides = array<i32>} : memref<25600xf32, #tpu.memory_space<vmem>>, vector<25600xf32>,
    return
  }
  func.func @transform_0(%arg0: i32) -> i32 {
    %c0_i32 = arith.constant 0 : i32
    return %arg0 : i32
  }
  func.func @transform_1(%arg0: i32) -> i32 {
    %c0_i32 = arith.constant 0 : i32
    return %arg0 : i32
  }
  func.func @transform_2(%arg0: i32) -> i32 {
    %add3A = arith.constant 4 : i32
    %add3A_0 = arith.addi %arg0, %add3A : i32
    %c0_i32 = arith.constant 0 : i32
    return %add3A_0 : i32
  }
  func.func @transform_3(%arg0: i32) -> i32 {
    %c0_i32 = arith.constant 0 : i32
    return %arg0 : i32
  }
  func.func @transform_4(%arg0: i32) -> i32 {
    %c0_i32 = arith.constant 0 : i32
    return %arg0 : i32
  }
}

module attributes {stable_mosaic.version = 14 : i64} {
  func.func @_lstm_body(%arg0: i32, %arg1: memref<2x1x24x8192xf32, #tpu.memory_space<vmem>>, %arg2: memref<8192xf32, #tpu.memory_space<vmem>>, %arg3: memref<96x26xf32, #tpu.memory_space<vmem>>, %arg4: memref<1x24xf32, #tpu.memory_space<vmem>>, %arg5: memref<1x24x8192xf32, #tpu.memory_space<vmem>>, %arg6: memref<1x24x8192xf32, #tpu.memory_space<vmem>>, %arg7: memref<8192xf32, #tpu.memory_space<vmem>>) attributes {dimension_semantics = [#tpu.dimension_semantics<arbitrary>], iteration_bounds = array<i64: 13>, scalar_prefetch = 0 : i64, scratch_operands = 0 : i64, tpu.core_type = #tpu.core_type<tc>, window_params = [{transform_indices = @transform_0, window_bounds = array<i64: 2, 1, 24, 8192>}, {transform_indices = @transform_1, window_bounds = array<i64: 8192>}, {pipeline_mode = #tpu.pipeline_mode<synchronous>, transform_indices = @transform_2, window_bounds = array<i64: 96, 26>}, {pipeline_mode = #tpu.pipeline_mode<synchronous>, transform_indices = @transform_3, window_bounds = array<i64: 1, 24>}, {transform_indices = @transform_4, window_bounds = array<i64: 1, 24, 8192>}, {transform_indices = @transform_5, window_bounds = array<i64: 1, 24, 8192>}, {transform_indices = @transform_6, window_bounds = array<i64: 8192>}]} {
    %get3A = arith.constant 0 : index
    %get3A_0 = arith.constant 0 : index
    %get3A_1 = arith.constant 0 : index
    %get3A_2 = arith.constant 0 : index
    %get3A_3 = vector.load %arg1[%get3A, %get3A_0, %get3A_1, %get3A_2] : memref<2x1x24x8192xf32, #tpu.memory_space<vmem>>, vector<1x1x24x8192xf32>
    %get3A_4 = vector.shape_cast %get3A_3 : vector<1x1x24x8192xf32> to vector<24x8192xf32>
    %get3A_5 = arith.constant 1 : index
    %get3A_6 = arith.constant 0 : index
    %get3A_7 = arith.constant 0 : index
    %get3A_8 = arith.constant 0 : index
    %get3A_9 = vector.load %arg1[%get3A_5, %get3A_6, %get3A_7, %get3A_8] : memref<2x1x24x8192xf32, #tpu.memory_space<vmem>>, vector<1x1x24x8192xf32>
    %get3A_10 = vector.shape_cast %get3A_9 : vector<1x1x24x8192xf32> to vector<24x8192xf32>
    %get3A_11 = arith.constant 0 : index
    %get3A_12 = vector.load %arg2[%get3A_11] : memref<8192xf32, #tpu.memory_space<vmem>>, vector<8192xf32>
    %broadcast_in_dim3A = arith.constant 1.000000e+00 : f32
    %broadcast_in_dim3A_13 = vector.broadcast %broadcast_in_dim3A : f32 to vector<1x8192xf32>
    %broadcast_in_dim3A_14 = vector.shape_cast %get3A_12 : vector<8192xf32> to vector<1x8192xf32>
    %concatenate3A = tpu.concatenate %get3A_4, %broadcast_in_dim3A_14, %broadcast_in_dim3A_13 in 0 : vector<24x8192xf32>, vector<1x8192xf32>, vector<1x8192xf32> -> vector<26x8192xf32>
    %get3A_15 = arith.constant 0 : index
    %get3A_16 = arith.constant 0 : index
    %get3A_17 = vector.load %arg3[%get3A_15, %get3A_16] : memref<96x26xf32, #tpu.memory_space<vmem>>, vector<96x26xf32>
    %dot_general3A = arith.constant dense<0.000000e+00> : vector<96x8192xf32>
    %dot_general3A_18 = tpu.matmul %get3A_17, %concatenate3A, %dot_general3A {dimension_numbers = #tpu.dot_dimension_numbers<[1], [0], [0], [1], [0, 0, 1, 1], [], []>, transpose_lhs_hint = false} : vector<96x26xf32>, vector<26x8192xf32>, vector<96x8192xf32> -> vector<96x8192xf32>
    %slice3A = vector.extract_strided_slice %dot_general3A_18 {offsets = [0, 0], sizes = [24, 8192], strides = [1, 1]} : vector<96x8192xf32> to vector<24x8192xf32>
    %logistic3A = arith.negf %slice3A : vector<24x8192xf32>
    %logistic3A_19 = math.exp %logistic3A : vector<24x8192xf32>
    %logistic3A_20 = arith.constant 1.000000e+00 : f32
    %logistic3A_21 = vector.broadcast %logistic3A_20 : f32 to vector<24x8192xf32>
    %logistic3A_22 = arith.addf %logistic3A_21, %logistic3A_19 : vector<24x8192xf32>
    %logistic3A_23 = arith.divf %logistic3A_21, %logistic3A_22 : vector<24x8192xf32>
    %slice3A_24 = vector.extract_strided_slice %dot_general3A_18 {offsets = [24, 0], sizes = [24, 8192], strides = [1, 1]} : vector<96x8192xf32> to vector<24x8192xf32>
    %logistic3A_25 = arith.negf %slice3A_24 : vector<24x8192xf32>
    %logistic3A_26 = math.exp %logistic3A_25 : vector<24x8192xf32>
    %logistic3A_27 = arith.constant 1.000000e+00 : f32
    %logistic3A_28 = vector.broadcast %logistic3A_27 : f32 to vector<24x8192xf32>
    %logistic3A_29 = arith.addf %logistic3A_28, %logistic3A_26 : vector<24x8192xf32>
    %logistic3A_30 = arith.divf %logistic3A_28, %logistic3A_29 : vector<24x8192xf32>
    %slice3A_31 = vector.extract_strided_slice %dot_general3A_18 {offsets = [48, 0], sizes = [24, 8192], strides = [1, 1]} : vector<96x8192xf32> to vector<24x8192xf32>
    %tanh3A = math.tanh %slice3A_31 : vector<24x8192xf32>
    %slice3A_32 = vector.extract_strided_slice %dot_general3A_18 {offsets = [72, 0], sizes = [24, 8192], strides = [1, 1]} : vector<96x8192xf32> to vector<24x8192xf32>
    %logistic3A_33 = arith.negf %slice3A_32 : vector<24x8192xf32>
    %logistic3A_34 = math.exp %logistic3A_33 : vector<24x8192xf32>
    %logistic3A_35 = arith.constant 1.000000e+00 : f32
    %logistic3A_36 = vector.broadcast %logistic3A_35 : f32 to vector<24x8192xf32>
    %logistic3A_37 = arith.addf %logistic3A_36, %logistic3A_34 : vector<24x8192xf32>
    %logistic3A_38 = arith.divf %logistic3A_36, %logistic3A_37 : vector<24x8192xf32>
    %mul3A = arith.mulf %logistic3A_30, %get3A_10 : vector<24x8192xf32>
    %mul3A_39 = arith.mulf %logistic3A_23, %tanh3A : vector<24x8192xf32>
    %add3A = arith.addf %mul3A, %mul3A_39 : vector<24x8192xf32>
    %tanh3A_40 = math.tanh %add3A : vector<24x8192xf32>
    %mul3A_41 = arith.mulf %logistic3A_38, %tanh3A_40 : vector<24x8192xf32>
    %swap3A = arith.constant 0 : index
    %swap3A_42 = arith.constant 0 : index
    %swap3A_43 = arith.constant 0 : index
    %swap3A_44 = vector.load %arg5[%swap3A, %swap3A_42, %swap3A_43] : memref<1x24x8192xf32, #tpu.memory_space<vmem>>, vector<1x24x8192xf32>
    %swap3A_45 = vector.shape_cast %swap3A_44 : vector<1x24x8192xf32> to vector<24x8192xf32>
    %swap3A_46 = vector.shape_cast %mul3A_41 : vector<24x8192xf32> to vector<1x24x8192xf32>
    tpu.vector_store %arg5[%swap3A, %swap3A_42, %swap3A_43], %swap3A_46 {strides = array<i32>} : memref<1x24x8192xf32, #tpu.memory_space<vmem>>, vector<1x24x8192xf32>,
    %swap3A_47 = arith.constant 0 : index
    %swap3A_48 = arith.constant 0 : index
    %swap3A_49 = arith.constant 0 : index
    %swap3A_50 = vector.load %arg6[%swap3A_47, %swap3A_48, %swap3A_49] : memref<1x24x8192xf32, #tpu.memory_space<vmem>>, vector<1x24x8192xf32>
    %swap3A_51 = vector.shape_cast %swap3A_50 : vector<1x24x8192xf32> to vector<24x8192xf32>
    %swap3A_52 = vector.shape_cast %add3A : vector<24x8192xf32> to vector<1x24x8192xf32>
    tpu.vector_store %arg6[%swap3A_47, %swap3A_48, %swap3A_49], %swap3A_52 {strides = array<i32>} : memref<1x24x8192xf32, #tpu.memory_space<vmem>>, vector<1x24x8192xf32>,
    %get3A_53 = arith.constant 0 : index
    %get3A_54 = arith.constant 0 : index
    %get3A_55 = vector.load %arg4[%get3A_53, %get3A_54] : memref<1x24xf32, #tpu.memory_space<vmem>>, vector<1x24xf32>
    %dot_general3A_56 = arith.constant dense<0.000000e+00> : vector<1x8192xf32>
    %dot_general3A_57 = tpu.matmul %get3A_55, %mul3A_41, %dot_general3A_56 {dimension_numbers = #tpu.dot_dimension_numbers<[1], [0], [0], [1], [0, 0, 1, 1], [], []>, transpose_lhs_hint = false} : vector<1x24xf32>, vector<24x8192xf32>, vector<1x8192xf32> -> vector<1x8192xf32>
    %squeeze3A = vector.shape_cast %dot_general3A_57 : vector<1x8192xf32> to vector<8192xf32>
    %swap3A_58 = arith.constant 0 : index
    %swap3A_59 = vector.load %arg7[%swap3A_58] : memref<8192xf32, #tpu.memory_space<vmem>>, vector<8192xf32>
    tpu.vector_store %arg7[%swap3A_58], %squeeze3A {strides = array<i32>} : memref<8192xf32, #tpu.memory_space<vmem>>, vector<8192xf32>,
    return
  }
  func.func @transform_0(%arg0: i32) -> (i32, i32, i32, i32) {
    %c0_i32 = arith.constant 0 : i32
    %c0_i32_0 = arith.constant 0 : i32
    %c0_i32_1 = arith.constant 0 : i32
    %c0_i32_2 = arith.constant 0 : i32
    return %c0_i32, %c0_i32_0, %c0_i32_1, %arg0 : i32, i32, i32, i32
  }
  func.func @transform_1(%arg0: i32) -> i32 {
    %c0_i32 = arith.constant 0 : i32
    return %arg0 : i32
  }
  func.func @transform_2(%arg0: i32) -> (i32, i32) {
    %c0_i32 = arith.constant 0 : i32
    %c0_i32_0 = arith.constant 0 : i32
    %c0_i32_1 = arith.constant 0 : i32
    return %c0_i32, %c0_i32_0 : i32, i32
  }
  func.func @transform_3(%arg0: i32) -> (i32, i32) {
    %c0_i32 = arith.constant 0 : i32
    %c0_i32_0 = arith.constant 0 : i32
    %c0_i32_1 = arith.constant 0 : i32
    return %c0_i32, %c0_i32_0 : i32, i32
  }
  func.func @transform_4(%arg0: i32) -> (i32, i32, i32) {
    %c0_i32 = arith.constant 0 : i32
    %c0_i32_0 = arith.constant 0 : i32
    %c0_i32_1 = arith.constant 0 : i32
    return %c0_i32, %c0_i32_0, %arg0 : i32, i32, i32
  }
  func.func @transform_5(%arg0: i32) -> (i32, i32, i32) {
    %c0_i32 = arith.constant 0 : i32
    %c0_i32_0 = arith.constant 0 : i32
    %c0_i32_1 = arith.constant 0 : i32
    return %c0_i32, %c0_i32_0, %arg0 : i32, i32, i32
  }
  func.func @transform_6(%arg0: i32) -> i32 {
    %c0_i32 = arith.constant 0 : i32
    return %arg0 : i32
  }
}

module attributes {stable_mosaic.version = 14 : i64} {
  func.func @_final_body(%arg0: i32, %arg1: memref<25600xf32, #tpu.memory_space<vmem>>, %arg2: memref<25600xf32, #tpu.memory_space<vmem>>, %arg3: memref<25600xf32, #tpu.memory_space<vmem>>, %arg4: memref<25600xf32, #tpu.memory_space<vmem>>, %arg5: memref<25600xf32, #tpu.memory_space<vmem>>, %arg6: memref<1xf32, #tpu.memory_space<smem>>, %arg7: memref<25600xf32, #tpu.memory_space<vmem>>) attributes {dimension_semantics = [#tpu.dimension_semantics<arbitrary>], iteration_bounds = array<i64: 4>, scalar_prefetch = 0 : i64, scratch_operands = 0 : i64, tpu.core_type = #tpu.core_type<tc>, window_params = [{transform_indices = @transform_0, window_bounds = array<i64: 25600>}, {transform_indices = @transform_1, window_bounds = array<i64: 25600>}, {transform_indices = @transform_2, window_bounds = array<i64: 25600>}, {transform_indices = @transform_3, window_bounds = array<i64: 25600>}, {transform_indices = @transform_4, window_bounds = array<i64: 25600>}, {transform_indices = @transform_5, window_bounds = array<i64: 1>}, {transform_indices = @transform_6, window_bounds = array<i64: 25600>}]} {
    %get3A = arith.constant 0 : index
    %get3A_0 = vector.load %arg1[%get3A] : memref<25600xf32, #tpu.memory_space<vmem>>, vector<25600xf32>
    %get3A_1 = arith.constant 0 : index
    %get3A_2 = vector.load %arg2[%get3A_1] : memref<25600xf32, #tpu.memory_space<vmem>>, vector<25600xf32>
    %add3A = arith.addf %get3A_0, %get3A_2 : vector<25600xf32>
    %get3A_3 = arith.constant 0 : index
    %get3A_4 = vector.load %arg3[%get3A_3] : memref<25600xf32, #tpu.memory_space<vmem>>, vector<25600xf32>
    %add3A_5 = arith.addf %add3A, %get3A_4 : vector<25600xf32>
    %get3A_6 = arith.constant 0 : index
    %get3A_7 = vector.load %arg4[%get3A_6] : memref<25600xf32, #tpu.memory_space<vmem>>, vector<25600xf32>
    %mul3A = arith.mulf %get3A_7, %add3A_5 : vector<25600xf32>
    %get3A_8 = arith.constant 0 : index
    %get3A_9 = memref.load %arg6[%get3A_8] : memref<1xf32, #tpu.memory_space<smem>>
    %add3A_10 = vector.broadcast %get3A_9 : f32 to vector<25600xf32>
    %add3A_11 = arith.addf %mul3A, %add3A_10 : vector<25600xf32>
    %get3A_12 = arith.constant 0 : index
    %get3A_13 = vector.load %arg5[%get3A_12] : memref<25600xf32, #tpu.memory_space<vmem>>, vector<25600xf32>
    %mul3A_14 = arith.mulf %get3A_13, %add3A_11 : vector<25600xf32>
    %swap3A = arith.constant 0 : index
    %swap3A_15 = vector.load %arg7[%swap3A] : memref<25600xf32, #tpu.memory_space<vmem>>, vector<25600xf32>
    tpu.vector_store %arg7[%swap3A], %mul3A_14 {strides = array<i32>} : memref<25600xf32, #tpu.memory_space<vmem>>, vector<25600xf32>,
    return
  }
  func.func @transform_0(%arg0: i32) -> i32 {
    %c0_i32 = arith.constant 0 : i32
    return %arg0 : i32
  }
  func.func @transform_1(%arg0: i32) -> i32 {
    %add3A = arith.constant 4 : i32
    %add3A_0 = arith.addi %arg0, %add3A : i32
    %c0_i32 = arith.constant 0 : i32
    return %add3A_0 : i32
  }
  func.func @transform_2(%arg0: i32) -> i32 {
    %c0_i32 = arith.constant 0 : i32
    return %arg0 : i32
  }
  func.func @transform_3(%arg0: i32) -> i32 {
    %c0_i32 = arith.constant 0 : i32
    return %arg0 : i32
  }
  func.func @transform_4(%arg0: i32) -> i32 {
    %c0_i32 = arith.constant 0 : i32
    return %arg0 : i32
  }
  func.func @transform_5(%arg0: i32) -> i32 {
    %c0_i32 = arith.constant 0 : i32
    %c0_i32_0 = arith.constant 0 : i32
    return %c0_i32 : i32
  }
  func.func @transform_6(%arg0: i32) -> i32 {
    %c0_i32 = arith.constant 0 : i32
    return %arg0 : i32
  }
}

</mosaic_0001>

<sc_bundles>
// kernel: kernel.10.cloned.1.call-start
scs
__scs_entry_jumppad:
0x0: {  	(pc) =	sbr.rel $0x88, $3  }
0x1: {  	(tag) =	ssettag $0x0;
	lr =	simm.s32 $0x1  }
0x2: {  	[smem:$0x3F96] =	sst lr;
	_ =	strace $0xD0000000  }
0x3: {  	_ = 	snop  }
0x4: {  	_ = 	snop  }
0x5: {  	_ = 	snop  }
0x6: {  	_ = 	snop  }
0x7: {  	_ = 	snop  }
__scs_overlays_trampoline_lowered:
0x8: {  	[smem:$0x3FA5] =	sst s0  }
0x9: {  	[smem:$0x3FA6] =	sst s1  }
0xa: {  	[smem:$0x3FA7] =	sst s2  }
0xb: {  	[smem:$0x3FA8] =	sst s3  }
0xc: {  	[smem:$0x3FA9] =	sst s4  }
0xd: {  	[smem:$0x3FAA] =	sst s5  }
0xe: {  	[smem:$0x3FAB] =	sst s6  }
0xf: {  	[smem:$0x3FAC] =	sst s7  }
0x10: {  	[smem:$0x3FAD] =	sst s8  }
0x11: {  	[smem:$0x3FAE] =	sst s9;
	s0 =	simm.s32 @!p0 $0x0  }
0x12: {  	s1 =	sld [smem:$0x3F94];
	s0 =	simm.s32 @p0 $0x1  }
0x13: {  	[smem:$0x3FAF] =	sst s0;
	s0 =	simm.s32 @!p1 $0x0  }
0x14: {  	s2 =	sld [smem:$0x3F93];
	s0 =	simm.s32 @p1 $0x1  }
0x15: {  	[smem:$0x3FB0] =	sst s0;
	s0 =	simm.s32 @!p2 $0x0  }
0x16: {  	s3 =	sld [smem:$0x3FDB];
	s0 =	simm.s32 @p2 $0x1  }
0x17: {  	s4 =	simm.s32 $0x1BF5;
	[smem:$0x3FB2] =	sst s0  }
0x18: {  	s0 =	sld [smem:$0x3F95];
	_ =	swait.ge [sflag:s4], $0x0  }
0x19: {  	s7 =	sld [smem:$0x3F96]  }
0x1a: {  	s8 =	sadd.s32 $0xFFFFE003, lr  }
0x1b: {  	s9 =	sadd.s32 $0xFFFFFEF7, lr;
	s5 =	simm.s32 $0xFFFFFFFF;
	p2 =	slt.u32 s8, $0xFFFFF086  }
0x1c: {  	p1 =	slt.u32 s9, $0xF7A;
	s5 =	simm.s32 @!p2 $0x0  }
0x1d: {  	s5 =	simm.s32 @p1 $0x1;
	p0 =	seq.s32 s7, s2  }
0x1e: {  	s7 =	smul.u32 @!p0 $0xF7A, s2;
	p2 =	seq.s32 @!p0 s5, $0x0  }
0x1f: {  	s9 =	smul.u32 $0xF7A, s1;
	s8 =	simm.s32 @!p0 $0x1BF5;
	p2 =	por !p2, p0  }
0x20: {  	[sflag:s8] =	ssyncset.s32 @!p0 $0xFFFFF086;
	s6 =	sadd.s32 @!p0 s3, s7;
	s7 =	simm.s32 @!p0 $0x108  }
0x21: {  	s3 =	sadd.s32 s3, s9;
	s6 =	sadd.s32 @!p0 $0x88, s6;
	s7 =	simm.s32 @p2 $0x1082  }
0x22: {  	[simem:s7], [sflag:s8] =	dma.local @!p0 [hbm:s6], $0xF7A  }
0x23: {  	s9 =	sor.u32 $0xD0000000, s2;
	s6 =	simm.s32 $0x108;
	_ =	swait.ge @!p0 [sflag:s8], $0x0  }
0x24: {  	s3 =	sadd.s32 $0x88, s3;
	s6 =	simm.s32 @!p1 $0x1082;
	[sflag:s4] =	ssyncset.s32 $0xFFFFF086  }
0x25: {  	[simem:s6], [sflag:s4] =	dma.local [hbm:s3], $0xF7A  }
0x26: {  	[smem:$0x3F96] =	sst s1;
	(tag) =	ssettag s2;
	_ =	strace s9  }
0x27: {  	s1 =	sld [smem:$0x3FA6]  }
0x28: {  	s2 =	sld [smem:$0x3FA7]  }
0x29: {  	s4 =	sld [smem:$0x3FA9]  }
0x2a: {  	p0 =	seq.s32 s5, $0x0;
	s5 =	sld [smem:$0x3FAA]  }
0x2b: {  	s6 =	sld [smem:$0x3FAB]  }
0x2c: {  	s7 =	sld [smem:$0x3FAC]  }
0x2d: {  	s3 =	simm.s32 $0x108;
	s8 =	sld [smem:$0x3FAD]  }
0x2e: {  	s3 =	simm.s32 @!p0 $0x1082;
	s9 =	sld [smem:$0x3FAE]  }
0x2f: {  	lr =	sadd.s32 s0, s3;
	s0 =	sld [smem:$0x3FA5]  }
0x30: {  	s3 =	sld [smem:$0x3FA8]  }
0x31: {  	[smem:$0x3FB1] =	sst s10  }
0x32: {  	s10 =	sld [smem:$0x3FAF];
	_ =	sdelay $0x3  }
0x33: {  	p0 =	seq.s32 s10, $0x1;
	s10 =	sld [smem:$0x3FB1];
	_ =	sdelay $0x3  }
0x34: {  	[smem:$0x3FB1] =	sst s10  }
0x35: {  	s10 =	sld [smem:$0x3FB0];
	_ =	sdelay $0x3  }
0x36: {  	p1 =	seq.s32 s10, $0x1;
	s10 =	sld [smem:$0x3FB1];
	_ =	sdelay $0x3  }
0x37: {  	[smem:$0x3FB1] =	sst s10  }
0x38: {  	s10 =	sld [smem:$0x3FB2]  }
0x39: {  	_ = 	snop;
	(pc) =	sbr.ind lr, $3  }
0x3a: {  	_ = 	snop  }
0x3b: {  	_ = 	snop  }
0x3c: {  	p2 =	seq.s32 s10, $0x1;
	s10 =	sld [smem:$0x3FB1]  }
0x3d: {  	_ =	shalt  }
0x3e: {  	_ =	shalt  }
0x3f: {  	_ =	shalt  }
0x40: {  	_ =	shalt  }
0x41: {  	_ =	shalt  }
0x42: {  	_ =	shalt  }
0x43: {  	_ =	shalt  }
0x44: {  	_ =	shalt  }
0x45: {  	_ =	shalt  }
0x46: {  	_ =	shalt  }
0x47: {  	_ =	shalt  }
0x48: {  	_ =	shalt  }
0x49: {  	_ =	shalt  }
0x4a: {  	_ =	shalt  }
0x4b: {  	_ =	shalt  }
0x4c: {  	_ =	shalt  }
0x4d: {  	_ =	shalt  }
0x4e: {  	_ =	shalt  }
0x4f: {  	_ =	shalt  }
0x50: {  	_ =	shalt  }
0x51: {  	_ =	shalt  }
0x52: {  	_ =	shalt  }
0x53: {  	_ =	shalt  }
0x54: {  	_ =	shalt  }
0x55: {  	_ =	shalt  }
0x56: {  	_ =	shalt  }
0x57: {  	_ =	shalt  }
0x58: {  	_ =	shalt  }
0x59: {  	_ =	shalt  }
0x5a: {  	_ =	shalt  }
0x5b: {  	_ =	shalt  }
0x5c: {  	_ =	shalt  }
0x5d: {  	_ =	shalt  }
0x5e: {  	_ =	shalt  }
0x5f: {  	_ =	shalt  }
0x60: {  	_ =	shalt  }
0x61: {  	_ =	shalt  }
0x62: {  	_ =	shalt  }
0x63: {  	_ =	shalt  }
0x64: {  	_ =	shalt  }
0x65: {  	_ =	shalt  }
0x66: {  	_ =	shalt  }
0x67: {  	_ =	shalt  }
0x68: {  	_ =	shalt  }
0x69: {  	_ =	shalt  }
0x6a: {  	_ =	shalt  }
0x6b: {  	_ =	shalt  }
0x6c: {  	_ =	shalt  }
0x6d: {  	_ =	shalt  }
0x6e: {  	_ =	shalt  }
0x6f: {  	_ =	shalt  }
0x70: {  	_ =	shalt  }
0x71: {  	_ =	shalt  }
0x72: {  	_ =	shalt  }
0x73: {  	_ =	shalt  }
0x74: {  	_ =	shalt  }
0x75: {  	_ =	shalt  }
0x76: {  	_ =	shalt  }
0x77: {  	_ =	shalt  }
0x78: {  	_ =	shalt  }
0x79: {  	_ =	shalt  }
0x7a: {  	_ =	shalt  }
0x7b: {  	_ =	shalt  }
0x7c: {  	_ =	shalt  }
0x7d: {  	_ =	shalt  }
0x7e: {  	_ =	shalt  }
0x7f: {  	_ =	shalt  }
0x80: {  	_ =	shalt  }
0x81: {  	_ =	shalt  }
0x82: {  	_ =	shalt  }
0x83: {  	_ =	shalt  }
0x84: {  	_ =	shalt  }
0x85: {  	_ =	shalt  }
0x86: {  	_ =	shalt  }
0x87: {  	_ =	shalt  }
.Lfunc_end0:
.L_simem_size_0:
called_computation.1_lowered:
.L_overlay_start_0:
0x88: {  	s2 =	sld [smem:$0x3FD9]  }
0x89: {  	s3 =	sld [smem:$0x3FFE];
	_ =	sdelay $0x1  }
0x8a: {  	s1 =	srdreg.scid  }
0x8b: {  	s0 =	sand.u32 $0x1, s1  }
0x8c: {  	s16 =	sshll.u32 s0, $0xA;
	s2 =	sadd.s32 s3, s2  }
0x8d: {  	s2 =	sadd.s32 s2, s16  }
0x8e: {  	[smem:$0x3FBD] =	sst s2  }
0x8f: {  	_ = 	snop  }
0x90: {  	(tm) =	ssettm $0x1  }
0x91: {  	s17 =	sld [smem:$0x3FFB];
	_ =	sdelay $0x3  }
0x92: {  	_ =	strace s17  }
0x93: {  	s2 =	sld [smem:$0x3FFC];
	_ =	sdelay $0x3  }
0x94: {  	_ =	strace s2  }
0x95: {  	s2 =	sld [smem:$0x3FFD];
	_ =	sdelay $0x3  }
0x96: {  	_ =	strace s2  }
0x97: {  	_ =	strace $0x8FFFFFFF  }
0x98: {  	s18 =	sld [smem:$0x3FDB];
	_ =	sdelay $0x1  }
0x99: {  	s19 =	simm.s32 $_scs_section_size  }
0x9a: {  	s4 =	simm.s32 $_size__tile_overlayer_lowered;
	s5 =	simm.s32 $_tile_overlayer_lowered  }
0x9b: {  	s22 =	simm.s32 $0x1BFF;
	s21 =	sshll.u32 s5, $0x1;
	s2 =	sadd.s32 s19, s18  }
0x9c: {  	s6 =	simm.s32 $0x0;
	s20 =	sshll.u32 s4, $0x1;
	s4 =	sadd.s32 s21, s2  }
0x9d: {  	[timem:s6], [sflag:s22] =	dma.local [hbm:s4], s20  }
0x9e: {  	_ =	swait.ge [sflag:s22], s20  }
0x9f: {  	s3 =	ssub.s32 $0x0, s20;
	[sflag:s22] =	ssyncset.done $0x0  }
0xa0: {  	[sflag:s22] =	ssyncadd.s32 s3;
	_ =	sdelay $0x1  }
0xa1: {  	s23 =	simm.s32 $0x1B8B  }
0xa2: {  	_ =	swait.ge [sflag:s23], $0x1  }
0xa3: {  	[sflag:s23] =	ssyncset.done $0x0  }
0xa4: {  	s25 =	simm.s32 $0x1B8E;
	s24 =	sld [smem:$0x3FFE];
	[sflag:s23] =	ssyncadd.s32 $0xFFFFFFFF  }
0xa5: {  	s26 =	simm.s32 $execute0_lowered;
	[smem:$0x3FD2] =	sst s25  }
0xa6: {  	s4 =	sshll.u32 s26, $0x1;
	_ =	strace $0x80000049;
	[dreg:$0x1] =	wrdreg $0xFFFFFFFF  }
0xa7: {  	s28 =	simm.s32 $_size_execute0_lowered;
	s2 =	sadd.s32 s2, s4;
	[dreg:$0x0] =	wrdreg $0x0  }
0xa8: {  	s4 =	sshll.u32 s28, $0x1;
	[dreg:$0x2] =	wrdreg s2  }
0xa9: {  	[dreg:$0x3] =	wrdreg s4  }
0xaa: {  	[dreg:$0x4] =	wrdreg $0xC0  }
0xab: {  	_ =	task [dreg:s6], $0x5FFFF  }
0xac: {  	[dreg:$0x1] =	wrdreg $0xFFFFFFFF  }
0xad: {  	[dreg:$0x0] =	wrdreg $0x60  }
0xae: {  	[dreg:$0x2] =	wrdreg s24  }
0xaf: {  	[dreg:$0x3] =	wrdreg $0xF7800  }
0xb0: {  	[dreg:$0x4] =	wrdreg $0xDE800  }
0xb1: {  	[dreg:$0x5] =	wrdreg $0x9  }
0xb2: {  	_ =	task.clear_ibuf [dreg:s6], $0x6FFFF;
	_ =	strace $0x90000049  }
0xb3: {  	s29 =	simm.s32 $0x9;
	_ =	strace $0x8000004B  }
0xb4: {  	_ =	swait.ge [sflag:s29], $0x1  }
0xb5: {  	[sflag:s29] =	ssyncadd.s32 $0xFFFFFFFF  }
0xb6: {  	_ =	strace $0x9000004B  }
0xb7: {  	_ =	sfence  }
0xb8: {  	s30 =	sld [smem:$0x0];
	_ =	sdelay $0x2  }
0xb9: {  	s31 =	sshll.u32 s1, $0xD;
	s1 =	sshrl.u32 s1, $0x2  }
0xba: {  	s3 =	sand.u32 $0x4000, s31;
	s1 =	sadd.s32 s1, s30  }
0xbb: {  	s0 =	sor.u32 s3, s0;
	s1 =	sshll.u32 s1, $0x11  }
0xbc: {  	s0 =	sor.u32 s1, s0  }
0xbd: {  	s0 =	sadd.s32 $0x8F2B, s0  }
0xbe: {  	[sflag:s0] =	ssyncadd.remote.s32 $0x1  }
0xbf: {  	_ =	sfence.sel $0xFFFF  }
0xc0: {  	[dreg:$0x0] =	wrdreg $0xFFFFFFFF;
	(pc) =	sbr.abs _section_cstart, $3  }
0xc1: {  	[dreg:$0x1] =	wrdreg $0xFFFFFFFF  }
0xc2: {  	_ =	task.clear_ibuf [dreg:s6], $0x2FFFF;
	_ =	strace $0x9FFFFFFF  }
0xc3: {  	(tm) =	ssettm $0x7FFFFFFF  }
tec
execute0_lowered:
.L_overlay_start_1:
0x0: {  	(tag) =	ssettag $0x1  }
0x1: {  	s0 =	rddreg [dreg:$0x0]  }
0x2: {  	s2 =	rddreg [dreg:$0x1]  }
0x3: {  	s3 =	rddreg [dreg:$0x2]  }
0x4: {  	s11 =	stileid.u32;
	s1 =	srdreg.scid;
	s4 =	simm.s32 $0x0  }
0x5: {  	s19 =	simm.s32 $0xC580;
	s20 =	simm.s32 $0x5;
	s21 =	simm.s32 $0x4F00  }
0x6: {  	s22 =	simm.s32 $0x1;
	s23 =	simm.s32 $0x3;
	s28 =	simm.s32 $0x9E00  }
0x7: {  	s29 =	simm.s32 $0x2;
	s30 =	simm.s32 $0x4;
	s31 =	simm.s32 $0x0  }
0x8: {  	s9 =	smul.u32 $0x1900, s11;
	s1 =	sand.u32 $0x1, s1;
	[smem:$0x7FF] =	sst s4  }
0x9: {  	s5 =	sadd.s32 $0x3600, s0;
	s7 =	sshll.u32 s11, $0x1;
	s13 =	smul.u32 $0x30D40, s11  }
0xa: {  	s6 =	smul.u32 $0x19000, s1;
	_ =	strace $0x8000004A;
	s7 =	sor.u32 s1, s7  }
0xb: {  	s10 =	ssub.s32 $0x2, s1;
	s1 =	smul.u32 $0x186A0, s1;
	s8 =	sshrl.u32 s9, $0x3  }
0xc: {  	s7 =	smul.u32 $0x186A0, s7;
	s24 =	sshrl.u32 s10, $0x1;
	s25 =	sadd.s32 s9, s3  }
0xd: {  	s6 =	sadd.s32 s9, s6;
	s8 =	sadd.s32 s8, s0;
	s12 =	ssub.s32 s10, s24  }
0xe: {  	[dreg:$0x5] =	wrdreg s25;
	s26 =	sadd.s32 s1, s13;
	s24 =	simm.s32 $0x2780  }
0xf: {  	s25 =	simm.s32 $0x7680;
	s6 =	sshrl.u32 s6, $0x3;
	s7 =	sshrl.u32 s7, $0x3  }
0x10: {  	s8 =	sadd.s32 $0xC6C00, s8;
	s12 =	smax.u32 s12, $0x1;
	s15 =	sadd.s32 $0x312220, s26  }
0x11: {  	s1 =	sadd.s32 $0x4E20, s26;
	s16 =	sadd.s32 $0x2710, s26;
	s0 =	sadd.s32 s6, s0  }
0x12: {  	s6 =	sadd.s32 s9, s2;
	s7 =	sadd.s32 s5, s7;
	[dreg:$0x4] =	wrdreg s8  }
0x13: {  	s15 =	sshrl.u32 s15, $0x3;
	s17 =	sshrl.u32 s16, $0x3;
	s10 =	sadd.s32 $0x61A80, s7  }
0x14: {  	s11 =	sadd.s32 $0xC9E00, s0;
	s13 =	sadd.s32 $0x2BF2, s7;
	s0 =	sadd.s32 $0x30FB10, s26  }
0x15: {  	s14 =	sadd.s32 $0x64672, s7;
	s16 =	sadd.s32 s15, s5;
	s0 =	sshrl.u32 s0, $0x3  }
0x16: {  	v0 =	vimm.f32 $0.0e+00;
	s17 =	sadd.s32 s17, s5;
	s26 =	simm.s32 $0x2710;
	s18 =	sadd.s32 s0, s5  }
.LBB2_1:
0x17: {  	s0 =	simm.s32 $0x40;
	s15 =	simm.s32 $0x0  }
.LBB2_2:
0x18: {  	p0 =	sne.s32 s0, $0x63C0;
	[tilespmem:s15+$0xC580] =	vst v0;
	s15 =	smov.u32 s0;
	s0 =	sadd.s32 $0x40, s0  }
.Ltmp0:
0x19: {  	(pc) =	sbr.rel @p0 .LBB2_2-.Ltmp0, $2  }
0x1a: {  	_ =	sdelay $0x2  }
0x1b: {  	s15 =	sshra.s32 s15, $0x2  }
0x1c: {  	[tilespmem:s15+$0xC580] =	vst v0  }
0x1d: {  	[spmem:s6] =	stream.linear.scatter [tilespmem:s19], [sflag:$0x5], $0x1900, $0x38;
	[tilespmem:$0x11080] =	vst v63  }
0x1e: {  	_ =	swait.ge [sflag:s20], $0x1900  }
0x1f: {  	[sflag:s20] =	ssyncset.done $0x0  }
0x20: {  	s0 =	simm.s32 $0x0;
	s8 =	rddreg [dreg:$0x4];
	[sflag:s20] =	ssyncadd.s32 $0xFFFFE700  }
0x21: {  	[tilespmem:s19], [sflag:$0x5] =	stream.linear.gather [hbm4b:s8+s0], $0x1900, $0x38;
	[tilespmem:$0x11080] =	vst v63  }
0x22: {  	_ =	swait.ge [sflag:s20], $0x1900  }
0x23: {  	[sflag:s20] =	ssyncset.done $0x0  }
0x24: {  	s9 =	rddreg [dreg:$0x5];
	[sflag:s20] =	ssyncadd.s32 $0xFFFFE700  }
0x25: {  	[spmem:s9] =	stream.linear.scatter [tilespmem:s19], [sflag:$0x5], $0x1900, $0x38;
	[tilespmem:$0x11080] =	vst v63  }
0x26: {  	_ =	swait.ge [sflag:s20], $0x1900  }
0x27: {  	[sflag:s20] =	ssyncset.done $0x0  }
0x28: {  	[sflag:s20] =	ssyncadd.s32 $0xFFFFE700  }
0x29: {  	[bflag:$0x0] =	sbarrier.arrive $0xFFFF  }
0x2a: {  	[tilespmem:s0], [sflag:$0x1] =	stream.linear.gather [hbm4b:s7+s0], $0x2710, $0x38;
	[tilespmem:$0x11080] =	vst v63  }
0x2b: {  	_ = 	snop  }
0x2c: {  	[tilespmem:s21], [sflag:$0x3] =	stream.linear.gather [hbm4b:s10+s0], $0x2710, $0x38;
	[tilespmem:$0x11080] =	vst v63  }
0x2d: {  	_ =	swait.ge [sflag:s22], $0x2710  }
0x2e: {  	[sflag:s22] =	ssyncset.done $0x0  }
0x2f: {  	[sflag:s22] =	ssyncadd.s32 $0xFFFFD8F0  }
0x30: {  	_ =	swait.ge [sflag:s23], $0x2710  }
0x31: {  	[sflag:s23] =	ssyncset.done $0x0  }
0x32: {  	s15 =	sadd.s32 $0x0, s17;
	[sflag:s23] =	ssyncadd.s32 $0xFFFFD8F0  }
0x33: {  	[tilespmem:s24], [sflag:$0x2] =	stream.linear.gather [hbm4b:s15+s4], $0x2710, $0x38;
	[tilespmem:$0x11080] =	vst v63  }
0x34: {  	s8 =	sadd.s32 $0x0, s18  }
0x35: {  	[tilespmem:s25], [sflag:$0x4] =	stream.linear.gather [hbm4b:s8+s4], $0x2710, $0x38;
	[tilespmem:$0x11080] =	vst v63  }
0x36: {  	_ = 	snop  }
0x37: {  	[tilespmem:s28], [sflag:$0x5] =	stream.indirect.gather [spmem:s3], $0x1, s4, s26, $0xb8;
	[tilespmem:$0x11080] =	vst v63  }
0x38: {  	_ =	swait.ge [sflag:s20], $0x2710  }
0x39: {  	[sflag:s20] =	ssyncset.done $0x0  }
0x3a: {  	[sflag:s20] =	ssyncadd.s32 $0xFFFFD8F0  }
0x3b: {  	[spmem:s2] =	stream.indirect.scatter.add.f32 [tilespmem:s28], [sflag:$0x5], $0x1, s21, s26, $0xb8;
	[tilespmem:$0x11080] =	vst v63  }
0x3c: {  	_ =	swait.ge [sflag:s20], $0x2710  }
0x3d: {  	[sflag:s20] =	ssyncset.done $0x0  }
0x3e: {  	[sflag:s20] =	ssyncadd.s32 $0xFFFFD8F0  }
0x3f: {  	_ =	swait.ge [sflag:s29], $0x2710  }
0x40: {  	[sflag:s29] =	ssyncset.done $0x0  }
0x41: {  	[sflag:s29] =	ssyncadd.s32 $0xFFFFD8F0  }
0x42: {  	_ =	swait.ge [sflag:s30], $0x2710  }
0x43: {  	s9 =	sshrl.u32 s1, $0x3;
	[sflag:s30] =	ssyncset.done $0x0  }
0x44: {  	s0 =	sadd.s32 s5, s9;
	[sflag:s30] =	ssyncadd.s32 $0xFFFFD8F0  }
0x45: {  	[tilespmem:s4], [sflag:$0x1] =	stream.linear.gather [hbm4b:s0+s4], $0x2710, $0x38;
	[tilespmem:$0x11080] =	vst v63  }
0x46: {  	s15 =	sadd.s32 $0x0, s16  }
0x47: {  	[tilespmem:s21], [sflag:$0x3] =	stream.linear.gather [hbm4b:s15+s4], $0x2710, $0x38;
	[tilespmem:$0x11080] =	vst v63  }
0x48: {  	_ = 	snop  }
0x49: {  	[tilespmem:s28], [sflag:$0x5] =	stream.indirect.gather [spmem:s3], $0x1, s24, s26, $0xb8;
	[tilespmem:$0x11080] =	vst v63  }
0x4a: {  	_ =	swait.ge [sflag:s20], $0x2710  }
0x4b: {  	[sflag:s20] =	ssyncset.done $0x0  }
0x4c: {  	[sflag:s20] =	ssyncadd.s32 $0xFFFFD8F0  }
0x4d: {  	[spmem:s2] =	stream.indirect.scatter.add.f32 [tilespmem:s28], [sflag:$0x5], $0x1, s25, s26, $0xb8;
	[tilespmem:$0x11080] =	vst v63  }
0x4e: {  	_ =	swait.ge [sflag:s20], $0x2710  }
0x4f: {  	s0 =	simm.s32 $0x9C4;
	s15 =	smov.u32 s1;
	[sflag:s20] =	ssyncset.done $0x0  }
.LBB2_4:
0x50: {  	p0 =	sne.s32 s0, $0x1D4C;
	[sflag:s20] =	ssyncadd.s32 $0xFFFFD8F0;
	s15 =	sadd.s32 $0x4E20, s15  }
0x51: {  	s8 =	smov.u32 s0;
	s0 =	sadd.s32 $0x9C4, s0;
	_ =	swait.ge [sflag:s22], $0x2710  }
0x52: {  	[sflag:s22] =	ssyncset.done $0x0  }
0x53: {  	[sflag:s22] =	ssyncadd.s32 $0xFFFFD8F0  }
0x54: {  	_ =	swait.ge [sflag:s23], $0x2710  }
0x55: {  	[sflag:s23] =	ssyncset.done $0x0  }
0x56: {  	s9 =	sadd.s32 s8, s17;
	[sflag:s23] =	ssyncadd.s32 $0xFFFFD8F0  }
0x57: {  	[tilespmem:s24], [sflag:$0x2] =	stream.linear.gather [hbm4b:s9+s4], $0x2710, $0x38;
	[tilespmem:$0x11080] =	vst v63  }
0x58: {  	s9 =	sadd.s32 s8, s18  }
0x59: {  	[tilespmem:s25], [sflag:$0x4] =	stream.linear.gather [hbm4b:s9+s4], $0x2710, $0x38;
	[tilespmem:$0x11080] =	vst v63  }
0x5a: {  	_ = 	snop  }
0x5b: {  	[tilespmem:s28], [sflag:$0x5] =	stream.indirect.gather [spmem:s3], $0x1, s4, s26, $0xb8;
	[tilespmem:$0x11080] =	vst v63  }
0x5c: {  	_ =	swait.ge [sflag:s20], $0x2710  }
0x5d: {  	[sflag:s20] =	ssyncset.done $0x0  }
0x5e: {  	[sflag:s20] =	ssyncadd.s32 $0xFFFFD8F0  }
0x5f: {  	[spmem:s2] =	stream.indirect.scatter.add.f32 [tilespmem:s28], [sflag:$0x5], $0x1, s21, s26, $0xb8;
	[tilespmem:$0x11080] =	vst v63  }
0x60: {  	_ =	swait.ge [sflag:s20], $0x2710  }
0x61: {  	[sflag:s20] =	ssyncset.done $0x0  }
0x62: {  	[sflag:s20] =	ssyncadd.s32 $0xFFFFD8F0  }
0x63: {  	_ =	swait.ge [sflag:s29], $0x2710  }
0x64: {  	[sflag:s29] =	ssyncset.done $0x0  }
0x65: {  	[sflag:s29] =	ssyncadd.s32 $0xFFFFD8F0  }
0x66: {  	_ =	swait.ge [sflag:s30], $0x2710  }
0x67: {  	s9 =	sshrl.u32 s15, $0x3;
	[sflag:s30] =	ssyncset.done $0x0  }
0x68: {  	s9 =	sadd.s32 s5, s9;
	[sflag:s30] =	ssyncadd.s32 $0xFFFFD8F0  }
0x69: {  	[tilespmem:s4], [sflag:$0x1] =	stream.linear.gather [hbm4b:s9+s4], $0x2710, $0x38;
	[tilespmem:$0x11080] =	vst v63  }
0x6a: {  	s8 =	sadd.s32 s8, s16  }
0x6b: {  	[tilespmem:s21], [sflag:$0x3] =	stream.linear.gather [hbm4b:s8+s4], $0x2710, $0x38;
	[tilespmem:$0x11080] =	vst v63  }
0x6c: {  	_ = 	snop  }
0x6d: {  	[tilespmem:s28], [sflag:$0x5] =	stream.indirect.gather [spmem:s3], $0x1, s24, s26, $0xb8;
	[tilespmem:$0x11080] =	vst v63  }
0x6e: {  	_ =	swait.ge [sflag:s20], $0x2710  }
.Ltmp1:
0x6f: {  	[sflag:s20] =	ssyncset.done $0x0;
	(pc) =	sbr.rel @p0 .LBB2_4-.Ltmp1, $4  }
0x70: {  	[sflag:s20] =	ssyncadd.s32 $0xFFFFD8F0  }
0x71: {  	[spmem:s2] =	stream.indirect.scatter.add.f32 [tilespmem:s28], [sflag:$0x5], $0x1, s25, s26, $0xb8;
	[tilespmem:$0x11080] =	vst v63  }
0x72: {  	_ =	swait.ge [sflag:s20], $0x2710  }
0x73: {  	[sflag:s20] =	ssyncset.done $0x0  }
0x74: {  	[sflag:s20] =	ssyncadd.s32 $0xFFFFD8F0  }
0x75: {  	_ =	swait.ge [sflag:s22], $0x2710  }
0x76: {  	[sflag:s22] =	ssyncset.done $0x0  }
0x77: {  	[sflag:s22] =	ssyncadd.s32 $0xFFFFD8F0  }
0x78: {  	_ =	swait.ge [sflag:s23], $0x2710  }
0x79: {  	[sflag:s23] =	ssyncset.done $0x0  }
0x7a: {  	[sflag:s23] =	ssyncadd.s32 $0xFFFFD8F0  }
0x7b: {  	[tilespmem:s24], [sflag:$0x2] =	stream.linear.gather [hbm4b:s13+s4], $0x2710, $0x38;
	[tilespmem:$0x11080] =	vst v63  }
0x7c: {  	_ = 	snop  }
0x7d: {  	[tilespmem:s25], [sflag:$0x4] =	stream.linear.gather [hbm4b:s14+s4], $0x2710, $0x38;
	[tilespmem:$0x11080] =	vst v63  }
0x7e: {  	_ = 	snop  }
0x7f: {  	[tilespmem:s28], [sflag:$0x5] =	stream.indirect.gather [spmem:s3], $0x1, s4, s26, $0xb8;
	[tilespmem:$0x11080] =	vst v63  }
0x80: {  	_ =	swait.ge [sflag:s20], $0x2710  }
0x81: {  	[sflag:s20] =	ssyncset.done $0x0  }
0x82: {  	[sflag:s20] =	ssyncadd.s32 $0xFFFFD8F0  }
0x83: {  	[spmem:s2] =	stream.indirect.scatter.add.f32 [tilespmem:s28], [sflag:$0x5], $0x1, s21, s26, $0xb8;
	[tilespmem:$0x11080] =	vst v63  }
0x84: {  	_ =	swait.ge [sflag:s20], $0x2710  }
0x85: {  	[sflag:s20] =	ssyncset.done $0x0  }
0x86: {  	[sflag:s20] =	ssyncadd.s32 $0xFFFFD8F0  }
0x87: {  	_ =	swait.ge [sflag:s29], $0x2710  }
0x88: {  	[sflag:s29] =	ssyncset.done $0x0  }
0x89: {  	[sflag:s29] =	ssyncadd.s32 $0xFFFFD8F0  }
0x8a: {  	_ =	swait.ge [sflag:s30], $0x2710  }
0x8b: {  	[sflag:s30] =	ssyncset.done $0x0  }
0x8c: {  	[sflag:s30] =	ssyncadd.s32 $0xFFFFD8F0  }
0x8d: {  	[tilespmem:s28], [sflag:$0x5] =	stream.indirect.gather [spmem:s3], $0x1, s24, s26, $0xb8;
	[tilespmem:$0x11080] =	vst v63  }
0x8e: {  	_ =	swait.ge [sflag:s20], $0x2710  }
0x8f: {  	[sflag:s20] =	ssyncset.done $0x0  }
0x90: {  	[sflag:s20] =	ssyncadd.s32 $0xFFFFD8F0  }
0x91: {  	[spmem:s2] =	stream.indirect.scatter.add.f32 [tilespmem:s28], [sflag:$0x5], $0x1, s25, s26, $0xb8;
	[tilespmem:$0x11080] =	vst v63  }
0x92: {  	_ =	swait.ge [sflag:s20], $0x2710  }
0x93: {  	[sflag:s20] =	ssyncset.done $0x0  }
0x94: {  	[sflag:s20] =	ssyncadd.s32 $0xFFFFD8F0  }
0x95: {  	[bflag:$0x0] =	sbarrier.arrive $0xFFFF  }
0x96: {  	[tilespmem:s19], [sflag:$0x5] =	stream.linear.gather [spmem:s6], $0x1900, $0x38;
	[tilespmem:$0x11080] =	vst v63  }
0x97: {  	s31 =	sadd.s32 $0x1, s31;
	_ =	swait.ge [sflag:s20], $0x1900  }
0x98: {  	p0 =	sne.s32 s31, s12;
	[sflag:s20] =	ssyncset.done $0x0  }
.Ltmp2:
0x99: {  	[sflag:s20] =	ssyncadd.s32 $0xFFFFE700;
	(pc) =	sbr.rel @p0 .LBB2_1-.Ltmp2, $4  }
0x9a: {  	[hbm4b:s11+s4] =	stream.linear.scatter [tilespmem:s19], [sflag:$0x5], $0x1900, $0x38;
	[tilespmem:$0x11080] =	vst v63  }
0x9b: {  	_ =	swait.ge [sflag:s20], $0x1900  }
0x9c: {  	[sflag:s20] =	ssyncset.done $0x0  }
0x9d: {  	[sflag:s20] =	ssyncadd.s32 $0xFFFFE700  }
0x9e: {  	_ =	sfence.sel $0x180000  }
0x9f: {  	[bflag:$0x0] =	sbarrier.arrive $0xFFFF  }
0xa0: {  	_ =	strace $0x9000004A  }
0xa1: {  	s0 =	stileid.u32;
	[bflag:$0x2] =	sbarrier.arrive $0xFFFF  }
0xa2: {  	p0 =	sne.s32 s0, $0x0;
	s0 =	rddreg [dreg:$0x3]  }
0xa3: {  	s0 =	sadd.s32 @!p0 $0x100000, s0  }
0xa4: {  	[sflag:s0] =	ssyncadd.tile.s32 @!p0 $0x1;
	_ =	shalt  }
.Lfunc_end2:
_tile_overlayer_lowered:
.L_overlay_start_2:
0xa5: {  	(tag) =	ssettag $0x2  }
0xa6: {  	s0 =	rddreg [dreg:$0x0];
	s2 =	stileid.u32  }
0xa7: {  	s1 =	rddreg [dreg:$0x1];
	p0 =	sne.s32 s2, $0x0  }
0xa8: {  	s3 =	rddreg [dreg:$0x2];
	[bflag:$0x3] =	sbarrier.arrive $0xFFFF;
	s2 =	simm.s32 @!p0 $0x1C05  }
0xa9: {  	[timem:s3], [sflag:s2] =	dma.local @!p0 [hbm:s0], s1  }
0xaa: {  	s0 =	simm.s32 @!p0 $0x5  }
0xab: {  	_ =	swait.ge @!p0 [sflag:s0], s1  }
0xac: {  	s1 =	ssub.s32 @!p0 $0x0, s1;
	[sflag:s0] =	ssyncset.done @!p0 $0x0  }
0xad: {  	[sflag:s0] =	ssyncadd.s32 @!p0 s1  }
0xae: {  	[bflag:$0x3] =	sbarrier.arrive $0xFFFF  }
0xaf: {  	_ =	shalt  }

// kernel: kernel.7.cloned.1.call-start
scs
__scs_entry_jumppad:
0x0: {  	(pc) =	sbr.rel $0x88, $3  }
0x1: {  	(tag) =	ssettag $0x0;
	lr =	simm.s32 $0x1  }
0x2: {  	[smem:$0x3F96] =	sst lr;
	_ =	strace $0xD0000000  }
0x3: {  	_ = 	snop  }
0x4: {  	_ = 	snop  }
0x5: {  	_ = 	snop  }
0x6: {  	_ = 	snop  }
0x7: {  	_ = 	snop  }
__scs_overlays_trampoline_lowered:
0x8: {  	[smem:$0x3FA5] =	sst s0  }
0x9: {  	[smem:$0x3FA6] =	sst s1  }
0xa: {  	[smem:$0x3FA7] =	sst s2  }
0xb: {  	[smem:$0x3FA8] =	sst s3  }
0xc: {  	[smem:$0x3FA9] =	sst s4  }
0xd: {  	[smem:$0x3FAA] =	sst s5  }
0xe: {  	[smem:$0x3FAB] =	sst s6  }
0xf: {  	[smem:$0x3FAC] =	sst s7  }
0x10: {  	[smem:$0x3FAD] =	sst s8  }
0x11: {  	[smem:$0x3FAE] =	sst s9;
	s0 =	simm.s32 @!p0 $0x0  }
0x12: {  	s1 =	sld [smem:$0x3F94];
	s0 =	simm.s32 @p0 $0x1  }
0x13: {  	[smem:$0x3FAF] =	sst s0;
	s0 =	simm.s32 @!p1 $0x0  }
0x14: {  	s2 =	sld [smem:$0x3F93];
	s0 =	simm.s32 @p1 $0x1  }
0x15: {  	[smem:$0x3FB0] =	sst s0;
	s0 =	simm.s32 @!p2 $0x0  }
0x16: {  	s3 =	sld [smem:$0x3FDB];
	s0 =	simm.s32 @p2 $0x1  }
0x17: {  	s4 =	simm.s32 $0x1BF5;
	[smem:$0x3FB2] =	sst s0  }
0x18: {  	s0 =	sld [smem:$0x3F95];
	_ =	swait.ge [sflag:s4], $0x0  }
0x19: {  	s7 =	sld [smem:$0x3F96]  }
0x1a: {  	s8 =	sadd.s32 $0xFFFFE003, lr  }
0x1b: {  	s9 =	sadd.s32 $0xFFFFFEF7, lr;
	s5 =	simm.s32 $0xFFFFFFFF;
	p2 =	slt.u32 s8, $0xFFFFF086  }
0x1c: {  	p1 =	slt.u32 s9, $0xF7A;
	s5 =	simm.s32 @!p2 $0x0  }
0x1d: {  	s5 =	simm.s32 @p1 $0x1;
	p0 =	seq.s32 s7, s2  }
0x1e: {  	s7 =	smul.u32 @!p0 $0xF7A, s2;
	p2 =	seq.s32 @!p0 s5, $0x0  }
0x1f: {  	s9 =	smul.u32 $0xF7A, s1;
	s8 =	simm.s32 @!p0 $0x1BF5;
	p2 =	por !p2, p0  }
0x20: {  	[sflag:s8] =	ssyncset.s32 @!p0 $0xFFFFF086;
	s6 =	sadd.s32 @!p0 s3, s7;
	s7 =	simm.s32 @!p0 $0x108  }
0x21: {  	s3 =	sadd.s32 s3, s9;
	s6 =	sadd.s32 @!p0 $0x88, s6;
	s7 =	simm.s32 @p2 $0x1082  }
0x22: {  	[simem:s7], [sflag:s8] =	dma.local @!p0 [hbm:s6], $0xF7A  }
0x23: {  	s9 =	sor.u32 $0xD0000000, s2;
	s6 =	simm.s32 $0x108;
	_ =	swait.ge @!p0 [sflag:s8], $0x0  }
0x24: {  	s3 =	sadd.s32 $0x88, s3;
	s6 =	simm.s32 @!p1 $0x1082;
	[sflag:s4] =	ssyncset.s32 $0xFFFFF086  }
0x25: {  	[simem:s6], [sflag:s4] =	dma.local [hbm:s3], $0xF7A  }
0x26: {  	[smem:$0x3F96] =	sst s1;
	(tag) =	ssettag s2;
	_ =	strace s9  }
0x27: {  	s1 =	sld [smem:$0x3FA6]  }
0x28: {  	s2 =	sld [smem:$0x3FA7]  }
0x29: {  	s4 =	sld [smem:$0x3FA9]  }
0x2a: {  	p0 =	seq.s32 s5, $0x0;
	s5 =	sld [smem:$0x3FAA]  }
0x2b: {  	s6 =	sld [smem:$0x3FAB]  }
0x2c: {  	s7 =	sld [smem:$0x3FAC]  }
0x2d: {  	s3 =	simm.s32 $0x108;
	s8 =	sld [smem:$0x3FAD]  }
0x2e: {  	s3 =	simm.s32 @!p0 $0x1082;
	s9 =	sld [smem:$0x3FAE]  }
0x2f: {  	lr =	sadd.s32 s0, s3;
	s0 =	sld [smem:$0x3FA5]  }
0x30: {  	s3 =	sld [smem:$0x3FA8]  }
0x31: {  	[smem:$0x3FB1] =	sst s10  }
0x32: {  	s10 =	sld [smem:$0x3FAF];
	_ =	sdelay $0x3  }
0x33: {  	p0 =	seq.s32 s10, $0x1;
	s10 =	sld [smem:$0x3FB1];
	_ =	sdelay $0x3  }
0x34: {  	[smem:$0x3FB1] =	sst s10  }
0x35: {  	s10 =	sld [smem:$0x3FB0];
	_ =	sdelay $0x3  }
0x36: {  	p1 =	seq.s32 s10, $0x1;
	s10 =	sld [smem:$0x3FB1];
	_ =	sdelay $0x3  }
0x37: {  	[smem:$0x3FB1] =	sst s10  }
0x38: {  	s10 =	sld [smem:$0x3FB2]  }
0x39: {  	_ = 	snop;
	(pc) =	sbr.ind lr, $3  }
0x3a: {  	_ = 	snop  }
0x3b: {  	_ = 	snop  }
0x3c: {  	p2 =	seq.s32 s10, $0x1;
	s10 =	sld [smem:$0x3FB1]  }
0x3d: {  	_ =	shalt  }
0x3e: {  	_ =	shalt  }
0x3f: {  	_ =	shalt  }
0x40: {  	_ =	shalt  }
0x41: {  	_ =	shalt  }
0x42: {  	_ =	shalt  }
0x43: {  	_ =	shalt  }
0x44: {  	_ =	shalt  }
0x45: {  	_ =	shalt  }
0x46: {  	_ =	shalt  }
0x47: {  	_ =	shalt  }
0x48: {  	_ =	shalt  }
0x49: {  	_ =	shalt  }
0x4a: {  	_ =	shalt  }
0x4b: {  	_ =	shalt  }
0x4c: {  	_ =	shalt  }
0x4d: {  	_ =	shalt  }
0x4e: {  	_ =	shalt  }
0x4f: {  	_ =	shalt  }
0x50: {  	_ =	shalt  }
0x51: {  	_ =	shalt  }
0x52: {  	_ =	shalt  }
0x53: {  	_ =	shalt  }
0x54: {  	_ =	shalt  }
0x55: {  	_ =	shalt  }
0x56: {  	_ =	shalt  }
0x57: {  	_ =	shalt  }
0x58: {  	_ =	shalt  }
0x59: {  	_ =	shalt  }
0x5a: {  	_ =	shalt  }
0x5b: {  	_ =	shalt  }
0x5c: {  	_ =	shalt  }
0x5d: {  	_ =	shalt  }
0x5e: {  	_ =	shalt  }
0x5f: {  	_ =	shalt  }
0x60: {  	_ =	shalt  }
0x61: {  	_ =	shalt  }
0x62: {  	_ =	shalt  }
0x63: {  	_ =	shalt  }
0x64: {  	_ =	shalt  }
0x65: {  	_ =	shalt  }
0x66: {  	_ =	shalt  }
0x67: {  	_ =	shalt  }
0x68: {  	_ =	shalt  }
0x69: {  	_ =	shalt  }
0x6a: {  	_ =	shalt  }
0x6b: {  	_ =	shalt  }
0x6c: {  	_ =	shalt  }
0x6d: {  	_ =	shalt  }
0x6e: {  	_ =	shalt  }
0x6f: {  	_ =	shalt  }
0x70: {  	_ =	shalt  }
0x71: {  	_ =	shalt  }
0x72: {  	_ =	shalt  }
0x73: {  	_ =	shalt  }
0x74: {  	_ =	shalt  }
0x75: {  	_ =	shalt  }
0x76: {  	_ =	shalt  }
0x77: {  	_ =	shalt  }
0x78: {  	_ =	shalt  }
0x79: {  	_ =	shalt  }
0x7a: {  	_ =	shalt  }
0x7b: {  	_ =	shalt  }
0x7c: {  	_ =	shalt  }
0x7d: {  	_ =	shalt  }
0x7e: {  	_ =	shalt  }
0x7f: {  	_ =	shalt  }
0x80: {  	_ =	shalt  }
0x81: {  	_ =	shalt  }
0x82: {  	_ =	shalt  }
0x83: {  	_ =	shalt  }
0x84: {  	_ =	shalt  }
0x85: {  	_ =	shalt  }
0x86: {  	_ =	shalt  }
0x87: {  	_ =	shalt  }
.Lfunc_end0:
.L_simem_size_0:
called_computation_lowered:
.L_overlay_start_0:
0x88: {  	s2 =	sld [smem:$0x3FD9]  }
0x89: {  	s3 =	sld [smem:$0x3FFE];
	_ =	sdelay $0x1  }
0x8a: {  	s1 =	srdreg.scid  }
0x8b: {  	s0 =	sand.u32 $0x1, s1  }
0x8c: {  	s16 =	sshll.u32 s0, $0xA;
	s2 =	sadd.s32 s3, s2  }
0x8d: {  	s2 =	sadd.s32 s2, s16  }
0x8e: {  	[smem:$0x3FBD] =	sst s2  }
0x8f: {  	_ = 	snop  }
0x90: {  	(tm) =	ssettm $0x1  }
0x91: {  	s17 =	sld [smem:$0x3FFB];
	_ =	sdelay $0x3  }
0x92: {  	_ =	strace s17  }
0x93: {  	s2 =	sld [smem:$0x3FFC];
	_ =	sdelay $0x3  }
0x94: {  	_ =	strace s2  }
0x95: {  	s2 =	sld [smem:$0x3FFD];
	_ =	sdelay $0x3  }
0x96: {  	_ =	strace s2  }
0x97: {  	_ =	strace $0x8FFFFFFF  }
0x98: {  	s18 =	sld [smem:$0x3FDB];
	_ =	sdelay $0x1  }
0x99: {  	s19 =	simm.s32 $_scs_section_size  }
0x9a: {  	s4 =	simm.s32 $_size__tile_overlayer_lowered;
	s5 =	simm.s32 $_tile_overlayer_lowered  }
0x9b: {  	s22 =	simm.s32 $0x1BFF;
	s21 =	sshll.u32 s5, $0x1;
	s2 =	sadd.s32 s19, s18  }
0x9c: {  	s6 =	simm.s32 $0x0;
	s20 =	sshll.u32 s4, $0x1;
	s4 =	sadd.s32 s21, s2  }
0x9d: {  	[timem:s6], [sflag:s22] =	dma.local [hbm:s4], s20  }
0x9e: {  	_ =	swait.ge [sflag:s22], s20  }
0x9f: {  	s3 =	ssub.s32 $0x0, s20;
	[sflag:s22] =	ssyncset.done $0x0  }
0xa0: {  	[sflag:s22] =	ssyncadd.s32 s3;
	_ =	sdelay $0x1  }
0xa1: {  	s23 =	simm.s32 $0x1B8B  }
0xa2: {  	_ =	swait.ge [sflag:s23], $0x1  }
0xa3: {  	[sflag:s23] =	ssyncset.done $0x0  }
0xa4: {  	s25 =	simm.s32 $0x1B8E;
	s24 =	sld [smem:$0x3FFE];
	[sflag:s23] =	ssyncadd.s32 $0xFFFFFFFF  }
0xa5: {  	s26 =	simm.s32 $execute0_lowered;
	[smem:$0x3FD2] =	sst s25  }
0xa6: {  	s4 =	sshll.u32 s26, $0x1;
	_ =	strace $0x80000046;
	[dreg:$0x1] =	wrdreg $0xFFFFFFFF  }
0xa7: {  	s28 =	simm.s32 $_size_execute0_lowered;
	s2 =	sadd.s32 s2, s4;
	[dreg:$0x0] =	wrdreg $0x0  }
0xa8: {  	s4 =	sshll.u32 s28, $0x1;
	[dreg:$0x2] =	wrdreg s2  }
0xa9: {  	[dreg:$0x3] =	wrdreg s4  }
0xaa: {  	[dreg:$0x4] =	wrdreg $0xC0  }
0xab: {  	_ =	task [dreg:s6], $0x5FFFF  }
0xac: {  	[dreg:$0x1] =	wrdreg $0xFFFFFFFF  }
0xad: {  	[dreg:$0x0] =	wrdreg $0x60  }
0xae: {  	[dreg:$0x2] =	wrdreg s24  }
0xaf: {  	[dreg:$0x3] =	wrdreg $0x8F800  }
0xb0: {  	[dreg:$0x4] =	wrdreg $0x9  }
0xb1: {  	_ =	task.clear_ibuf [dreg:s6], $0x5FFFF;
	_ =	strace $0x90000046  }
0xb2: {  	s29 =	simm.s32 $0x9;
	_ =	strace $0x80000048  }
0xb3: {  	_ =	swait.ge [sflag:s29], $0x1  }
0xb4: {  	[sflag:s29] =	ssyncadd.s32 $0xFFFFFFFF  }
0xb5: {  	_ =	strace $0x90000048  }
0xb6: {  	_ =	sfence  }
0xb7: {  	s30 =	sld [smem:$0x0];
	_ =	sdelay $0x2  }
0xb8: {  	s31 =	sshll.u32 s1, $0xD;
	s1 =	sshrl.u32 s1, $0x2  }
0xb9: {  	s3 =	sand.u32 $0x4000, s31;
	s1 =	sadd.s32 s1, s30  }
0xba: {  	s0 =	sor.u32 s3, s0;
	s1 =	sshll.u32 s1, $0x11  }
0xbb: {  	s0 =	sor.u32 s1, s0  }
0xbc: {  	s0 =	sadd.s32 $0x8F2B, s0  }
0xbd: {  	[sflag:s0] =	ssyncadd.remote.s32 $0x1  }
0xbe: {  	_ =	sfence.sel $0xFFFF  }
0xbf: {  	[dreg:$0x0] =	wrdreg $0xFFFFFFFF;
	(pc) =	sbr.abs _section_cstart, $3  }
0xc0: {  	[dreg:$0x1] =	wrdreg $0xFFFFFFFF  }
0xc1: {  	_ =	task.clear_ibuf [dreg:s6], $0x2FFFF;
	_ =	strace $0x9FFFFFFF  }
0xc2: {  	(tm) =	ssettm $0x7FFFFFFF  }
0xc3: {  	_ =	shalt  }
tec
execute0_lowered:
.L_overlay_start_1:
0x0: {  	(tag) =	ssettag $0x1  }
0x1: {  	s4 =	rddreg [dreg:$0x0]  }
0x2: {  	s2 =	rddreg [dreg:$0x1]  }
0x3: {  	s0 =	rddreg [dreg:$0x2];
	s3 =	srdreg.scid  }
0x4: {  	s1 =	stileid.u32;
	s17 =	simm.s32 $0x7680;
	s18 =	simm.s32 $0x3  }
0x5: {  	s19 =	simm.s32 $0x1;
	s20 =	simm.s32 $0x2780;
	s21 =	simm.s32 $0x2710  }
0x6: {  	s22 =	simm.s32 $0x4F00;
	s23 =	simm.s32 $0x2;
	s24 =	simm.s32 $0x0  }
0x7: {  	s5 =	sand.u32 $0x1, s3;
	s6 =	sshll.u32 s1, $0x1;
	s7 =	smul.u32 $0x1900, s1  }
0x8: {  	s3 =	simm.s32 $0x0;
	s6 =	sor.u32 s5, s6;
	s8 =	smul.u32 $0x19000, s5  }
0x9: {  	[smem:$0x7FF] =	sst s3;
	s5 =	ssub.s32 $0x2, s5;
	s6 =	smul.u32 $0x186A0, s6  }
0xa: {  	_ =	strace $0x80000047;
	s9 =	sshrl.u32 s5, $0x1;
	s8 =	sadd.s32 s7, s8  }
0xb: {  	s31 =	ssub.s32 s5, s9;
	s6 =	sshrl.u32 s6, $0x3;
	s8 =	sshrl.u32 s8, $0x3  }
0xc: {  	s16 =	sadd.s32 s6, s4;
	s30 =	sadd.s32 s8, s4;
	s4 =	sadd.s32 s7, s2  }
0xd: {  	s7 =	smax.u32 s31, $0x1;
	s5 =	sadd.s32 $0x65080, s16;
	s6 =	sadd.s32 $0xC6C00, s30  }
0xe: {  	s8 =	sadd.s32 $0x65562, s16;
	s9 =	sadd.s32 $0x65A44, s16;
	s10 =	sadd.s32 $0x65F26, s16  }
0xf: {  	s11 =	sadd.s32 $0x66408, s16;
	s12 =	sadd.s32 $0x668EA, s16;
	s13 =	sadd.s32 $0x66DCC, s16  }
0x10: {  	v0 =	vimm.f32 $1.000000000e+00;
	v1 =	vimm.f32 $0.0e+00;
	s14 =	sadd.s32 $0x672AE, s16;
	s15 =	sadd.s32 $0x67790, s16;
	s16 =	sadd.s32 $0x67C72, s16  }
.LBB2_1:
0x11: {  	s25 =	simm.s32 $0x0  }
.LBB2_2:
0x12: {  	p0 =	sne.s32 s25, $0x9C00  }
.Ltmp0:
0x13: {  	_ = 	snop;
	(pc) =	sbr.rel @p0 .LBB2_2-.Ltmp0, $3  }
0x14: {  	_ =	sdelay $0x1  }
0x15: {  	s26 =	sshra.s32 s25, $0x2  }
0x16: {  	s25 =	sadd.s32 $0x40, s25;
	[tilespmem:s26+$0x4F00] =	vst v0  }
0x17: {  	s25 =	simm.s32 $0x40;
	s26 =	simm.s32 $0x0  }
.LBB2_4:
0x18: {  	p0 =	sne.s32 s25, $0x63C0;
	[tilespmem:s26+$0x7680] =	vst v1;
	s26 =	smov.u32 s25;
	s25 =	sadd.s32 $0x40, s25  }
.Ltmp1:
0x19: {  	(pc) =	sbr.rel @p0 .LBB2_4-.Ltmp1, $2  }
0x1a: {  	_ =	sdelay $0x2  }
0x1b: {  	s26 =	sshra.s32 s26, $0x2  }
0x1c: {  	[tilespmem:s26+$0x7680] =	vst v1  }
0x1d: {  	[spmem:s4] =	stream.linear.scatter [tilespmem:s17], [sflag:$0x3], $0x1900, $0x38;
	[tilespmem:$0xA880] =	vst v63  }
0x1e: {  	_ =	swait.ge [sflag:s18], $0x1900  }
0x1f: {  	[sflag:s18] =	ssyncset.done $0x0  }
0x20: {  	[sflag:s18] =	ssyncadd.s32 $0xFFFFE700  }
0x21: {  	[bflag:$0x0] =	sbarrier.arrive $0xFFFF  }
0x22: {  	[tilespmem:s3], [sflag:$0x1] =	stream.linear.gather [hbm4b:s5+s3], $0x2710, $0x38;
	[tilespmem:$0xA880] =	vst v63  }
0x23: {  	_ =	swait.ge [sflag:s19], $0x2710  }
0x24: {  	[sflag:s19] =	ssyncset.done $0x0  }
0x25: {  	[sflag:s19] =	ssyncadd.s32 $0xFFFFD8F0  }
0x26: {  	[tilespmem:s20], [sflag:$0x2] =	stream.linear.gather [hbm4b:s8+s3], $0x2710, $0x38;
	[tilespmem:$0xA880] =	vst v63  }
0x27: {  	_ = 	snop  }
0x28: {  	[spmem:s2] =	stream.indirect.scatter.add.f32 [tilespmem:s22], [sflag:$0x3], $0x1, s3, s21, $0xb8;
	[tilespmem:$0xA880] =	vst v63  }
0x29: {  	_ =	swait.ge [sflag:s18], $0x2710  }
0x2a: {  	[sflag:s18] =	ssyncset.done $0x0  }
0x2b: {  	[sflag:s18] =	ssyncadd.s32 $0xFFFFD8F0  }
0x2c: {  	_ =	swait.ge [sflag:s23], $0x2710  }
0x2d: {  	[sflag:s23] =	ssyncset.done $0x0  }
0x2e: {  	[sflag:s23] =	ssyncadd.s32 $0xFFFFD8F0  }
0x2f: {  	[tilespmem:s3], [sflag:$0x1] =	stream.linear.gather [hbm4b:s9+s3], $0x2710, $0x38;
	[tilespmem:$0xA880] =	vst v63  }
0x30: {  	_ = 	snop  }
0x31: {  	[spmem:s2] =	stream.indirect.scatter.add.f32 [tilespmem:s22], [sflag:$0x3], $0x1, s20, s21, $0xb8;
	[tilespmem:$0xA880] =	vst v63  }
0x32: {  	_ =	swait.ge [sflag:s18], $0x2710  }
0x33: {  	[sflag:s18] =	ssyncset.done $0x0  }
0x34: {  	[sflag:s18] =	ssyncadd.s32 $0xFFFFD8F0  }
0x35: {  	_ =	swait.ge [sflag:s19], $0x2710  }
0x36: {  	[sflag:s19] =	ssyncset.done $0x0  }
0x37: {  	[sflag:s19] =	ssyncadd.s32 $0xFFFFD8F0  }
0x38: {  	[tilespmem:s20], [sflag:$0x2] =	stream.linear.gather [hbm4b:s10+s3], $0x2710, $0x38;
	[tilespmem:$0xA880] =	vst v63  }
0x39: {  	_ = 	snop  }
0x3a: {  	[spmem:s2] =	stream.indirect.scatter.add.f32 [tilespmem:s22], [sflag:$0x3], $0x1, s3, s21, $0xb8;
	[tilespmem:$0xA880] =	vst v63  }
0x3b: {  	_ =	swait.ge [sflag:s18], $0x2710  }
0x3c: {  	[sflag:s18] =	ssyncset.done $0x0  }
0x3d: {  	[sflag:s18] =	ssyncadd.s32 $0xFFFFD8F0  }
0x3e: {  	_ =	swait.ge [sflag:s23], $0x2710  }
0x3f: {  	[sflag:s23] =	ssyncset.done $0x0  }
0x40: {  	[sflag:s23] =	ssyncadd.s32 $0xFFFFD8F0  }
0x41: {  	[tilespmem:s3], [sflag:$0x1] =	stream.linear.gather [hbm4b:s11+s3], $0x2710, $0x38;
	[tilespmem:$0xA880] =	vst v63  }
0x42: {  	_ = 	snop  }
0x43: {  	[spmem:s2] =	stream.indirect.scatter.add.f32 [tilespmem:s22], [sflag:$0x3], $0x1, s20, s21, $0xb8;
	[tilespmem:$0xA880] =	vst v63  }
0x44: {  	_ =	swait.ge [sflag:s18], $0x2710  }
0x45: {  	[sflag:s18] =	ssyncset.done $0x0  }
0x46: {  	[sflag:s18] =	ssyncadd.s32 $0xFFFFD8F0  }
0x47: {  	_ =	swait.ge [sflag:s19], $0x2710  }
0x48: {  	[sflag:s19] =	ssyncset.done $0x0  }
0x49: {  	[sflag:s19] =	ssyncadd.s32 $0xFFFFD8F0  }
0x4a: {  	[tilespmem:s20], [sflag:$0x2] =	stream.linear.gather [hbm4b:s12+s3], $0x2710, $0x38;
	[tilespmem:$0xA880] =	vst v63  }
0x4b: {  	_ = 	snop  }
0x4c: {  	[spmem:s2] =	stream.indirect.scatter.add.f32 [tilespmem:s22], [sflag:$0x3], $0x1, s3, s21, $0xb8;
	[tilespmem:$0xA880] =	vst v63  }
0x4d: {  	_ =	swait.ge [sflag:s18], $0x2710  }
0x4e: {  	[sflag:s18] =	ssyncset.done $0x0  }
0x4f: {  	[sflag:s18] =	ssyncadd.s32 $0xFFFFD8F0  }
0x50: {  	_ =	swait.ge [sflag:s23], $0x2710  }
0x51: {  	[sflag:s23] =	ssyncset.done $0x0  }
0x52: {  	[sflag:s23] =	ssyncadd.s32 $0xFFFFD8F0  }
0x53: {  	[tilespmem:s3], [sflag:$0x1] =	stream.linear.gather [hbm4b:s13+s3], $0x2710, $0x38;
	[tilespmem:$0xA880] =	vst v63  }
0x54: {  	_ = 	snop  }
0x55: {  	[spmem:s2] =	stream.indirect.scatter.add.f32 [tilespmem:s22], [sflag:$0x3], $0x1, s20, s21, $0xb8;
	[tilespmem:$0xA880] =	vst v63  }
0x56: {  	_ =	swait.ge [sflag:s18], $0x2710  }
0x57: {  	[sflag:s18] =	ssyncset.done $0x0  }
0x58: {  	[sflag:s18] =	ssyncadd.s32 $0xFFFFD8F0  }
0x59: {  	_ =	swait.ge [sflag:s19], $0x2710  }
0x5a: {  	[sflag:s19] =	ssyncset.done $0x0  }
0x5b: {  	[sflag:s19] =	ssyncadd.s32 $0xFFFFD8F0  }
0x5c: {  	[tilespmem:s20], [sflag:$0x2] =	stream.linear.gather [hbm4b:s14+s3], $0x2710, $0x38;
	[tilespmem:$0xA880] =	vst v63  }
0x5d: {  	_ = 	snop  }
0x5e: {  	[spmem:s2] =	stream.indirect.scatter.add.f32 [tilespmem:s22], [sflag:$0x3], $0x1, s3, s21, $0xb8;
	[tilespmem:$0xA880] =	vst v63  }
0x5f: {  	_ =	swait.ge [sflag:s18], $0x2710  }
0x60: {  	[sflag:s18] =	ssyncset.done $0x0  }
0x61: {  	[sflag:s18] =	ssyncadd.s32 $0xFFFFD8F0  }
0x62: {  	_ =	swait.ge [sflag:s23], $0x2710  }
0x63: {  	[sflag:s23] =	ssyncset.done $0x0  }
0x64: {  	[sflag:s23] =	ssyncadd.s32 $0xFFFFD8F0  }
0x65: {  	[tilespmem:s3], [sflag:$0x1] =	stream.linear.gather [hbm4b:s15+s3], $0x2710, $0x38;
	[tilespmem:$0xA880] =	vst v63  }
0x66: {  	_ = 	snop  }
0x67: {  	[spmem:s2] =	stream.indirect.scatter.add.f32 [tilespmem:s22], [sflag:$0x3], $0x1, s20, s21, $0xb8;
	[tilespmem:$0xA880] =	vst v63  }
0x68: {  	_ =	swait.ge [sflag:s18], $0x2710  }
0x69: {  	[sflag:s18] =	ssyncset.done $0x0  }
0x6a: {  	[sflag:s18] =	ssyncadd.s32 $0xFFFFD8F0  }
0x6b: {  	_ =	swait.ge [sflag:s19], $0x2710  }
0x6c: {  	[sflag:s19] =	ssyncset.done $0x0  }
0x6d: {  	[sflag:s19] =	ssyncadd.s32 $0xFFFFD8F0  }
0x6e: {  	[tilespmem:s20], [sflag:$0x2] =	stream.linear.gather [hbm4b:s16+s3], $0x2710, $0x38;
	[tilespmem:$0xA880] =	vst v63  }
0x6f: {  	_ = 	snop  }
0x70: {  	[spmem:s2] =	stream.indirect.scatter.add.f32 [tilespmem:s22], [sflag:$0x3], $0x1, s3, s21, $0xb8;
	[tilespmem:$0xA880] =	vst v63  }
0x71: {  	_ =	swait.ge [sflag:s18], $0x2710  }
0x72: {  	[sflag:s18] =	ssyncset.done $0x0  }
0x73: {  	[sflag:s18] =	ssyncadd.s32 $0xFFFFD8F0  }
0x74: {  	_ =	swait.ge [sflag:s23], $0x2710  }
0x75: {  	[sflag:s23] =	ssyncset.done $0x0  }
0x76: {  	[sflag:s23] =	ssyncadd.s32 $0xFFFFD8F0  }
0x77: {  	[spmem:s2] =	stream.indirect.scatter.add.f32 [tilespmem:s22], [sflag:$0x3], $0x1, s20, s21, $0xb8;
	[tilespmem:$0xA880] =	vst v63  }
0x78: {  	_ =	swait.ge [sflag:s18], $0x2710  }
0x79: {  	[sflag:s18] =	ssyncset.done $0x0  }
0x7a: {  	[sflag:s18] =	ssyncadd.s32 $0xFFFFD8F0  }
0x7b: {  	[bflag:$0x0] =	sbarrier.arrive $0xFFFF  }
0x7c: {  	[tilespmem:s17], [sflag:$0x3] =	stream.linear.gather [spmem:s4], $0x1900, $0x38;
	[tilespmem:$0xA880] =	vst v63  }
0x7d: {  	s24 =	sadd.s32 $0x1, s24;
	_ =	swait.ge [sflag:s18], $0x1900  }
0x7e: {  	p0 =	sne.s32 s24, s7;
	[sflag:s18] =	ssyncset.done $0x0  }
.Ltmp2:
0x7f: {  	[sflag:s18] =	ssyncadd.s32 $0xFFFFE700;
	(pc) =	sbr.rel @p0 .LBB2_1-.Ltmp2, $4  }
0x80: {  	[hbm4b:s6+s3] =	stream.linear.scatter [tilespmem:s17], [sflag:$0x3], $0x1900, $0x38;
	[tilespmem:$0xA880] =	vst v63  }
0x81: {  	_ =	swait.ge [sflag:s18], $0x1900  }
0x82: {  	[sflag:s18] =	ssyncset.done $0x0  }
0x83: {  	[sflag:s18] =	ssyncadd.s32 $0xFFFFE700  }
0x84: {  	_ =	sfence.sel $0x180000  }
0x85: {  	[bflag:$0x0] =	sbarrier.arrive $0xFFFF  }
0x86: {  	p0 =	sne.s32 s1, $0x0;
	_ =	strace $0x90000047  }
0x87: {  	s0 =	sadd.s32 @!p0 $0x100000, s0;
	[bflag:$0x2] =	sbarrier.arrive $0xFFFF  }
0x88: {  	[sflag:s0] =	ssyncadd.tile.s32 @!p0 $0x1;
	_ =	shalt  }
.Lfunc_end2:
_tile_overlayer_lowered:
.L_overlay_start_2:
0x89: {  	(tag) =	ssettag $0x2  }
0x8a: {  	s0 =	rddreg [dreg:$0x0];
	s2 =	stileid.u32  }
0x8b: {  	s1 =	rddreg [dreg:$0x1];
	p0 =	sne.s32 s2, $0x0  }
0x8c: {  	s3 =	rddreg [dreg:$0x2];
	[bflag:$0x3] =	sbarrier.arrive $0xFFFF;
	s2 =	simm.s32 @!p0 $0x1C03  }
0x8d: {  	[timem:s3], [sflag:s2] =	dma.local @!p0 [hbm:s0], s1  }
0x8e: {  	s0 =	simm.s32 @!p0 $0x3  }
0x8f: {  	_ =	swait.ge @!p0 [sflag:s0], s1  }
0x90: {  	s1 =	ssub.s32 @!p0 $0x0, s1;
	[sflag:s0] =	ssyncset.done @!p0 $0x0  }
0x91: {  	[sflag:s0] =	ssyncadd.s32 @!p0 s1  }
0x92: {  	[bflag:$0x3] =	sbarrier.arrive $0xFFFF  }
0x93: {  	_ =	shalt  }

</sc_bundles>
